<compile_context>
chip_gen: v7x
topology: tpu7x:2x2x1
jax: 0.10.2.dev20260603
libtpu: 0.0.44.dev20260713+nightly
codegen_flags: <defaults>
</compile_context>

<pallas_src>
import functools

import jax
import jax.numpy as jnp
from jax import lax
from jax.experimental import pallas as pl
from jax.experimental.pallas import tpu as pltpu
from jax.experimental.pallas import tpu_sc as plsc

_NUM_EMB = 1000000
_D = 32
_S = 50
_BATCH = 16384
_NW = 32
_B_PER_W = _BATCH // _NW
_NBUF = 5

_mesh = plsc.VectorSubcoreMesh(core_axis_name="c", subcore_axis_name="s")


@functools.partial(
    pl.kernel,
    mesh=_mesh,
    out_type=jax.ShapeDtypeStruct((_BATCH, _S, _D), jnp.float32),
    compiler_params=pltpu.CompilerParams(use_tc_tiling_on_sc=False),
    scratch_types=[
        pltpu.VMEM((_S, _B_PER_W), jnp.int32),
        *([pltpu.VMEM((_B_PER_W, _D), jnp.float32)] * _NBUF),
        *([pltpu.SemaphoreType.DMA] * (2 * _NBUF)),
    ],
)
def _gather_kernel(idxt_hbm, table_hbm, out_hbm, idx_v, *bufs_and_sems):
    rows = bufs_and_sems[:_NBUF]
    sg = bufs_and_sems[_NBUF:2 * _NBUF]
    so = bufs_and_sems[2 * _NBUF:]
    wid = lax.axis_index("s") * 2 + lax.axis_index("c")
    base = wid * _B_PER_W

    def gather_copy(p, b):
        return pltpu.make_async_copy(
            table_hbm.at[idx_v.at[p]], rows[b], sg[b])

    def out_copy(p, b):
        return pltpu.make_async_copy(
            rows[b], out_hbm.at[pl.ds(base, _B_PER_W), p], so[b])

    pltpu.sync_copy(idxt_hbm.at[:, pl.ds(base, _B_PER_W)], idx_v)
    for k in range(_NBUF - 2):
        gather_copy(k, k).start()

    def body(q, carry):
        for b in range(_NBUF):
            g = q * _NBUF + b
            f = g + _NBUF - 2
            fb = (b + _NBUF - 2) % _NBUF

            @pl.when(jnp.logical_and(f < _S, g >= 2))
            def _():
                out_copy(g - 2, fb).wait()

            @pl.when(f < _S)
            def _():
                gather_copy(f, fb).start()

            gather_copy(g, b).wait()
            out_copy(g, b).start()
        return carry

    lax.fori_loop(0, _S // _NBUF, body, 0)
    for k in range(_S - _NBUF, _S):
        out_copy(k, k % _NBUF).wait()


def kernel(token_ids, embeddings):
    return _gather_kernel(token_ids.T.astype(jnp.int32), embeddings)

# --- scband reference (transcript-rebuilt; emitter-appended) ---
"""Pipeline reference for scband-embedding-46170898432245 (READ-ONLY COPY).

The authoritative reference and input builder live on the scoring server;
editing this copy changes nothing except your own understanding.
"""

import jax, jax.numpy as jnp
import numpy as np

NUM_EMBEDDINGS = 1000000
EMBEDDING_DIM = 32

def setup_inputs(seed: int = 0) -> dict:
    key = jax.random.key(seed)
    k1, k2 = jax.random.split(key)
    token_ids = jax.random.randint(k1, (16384, 50), 0, NUM_EMBEDDINGS, dtype=jnp.int64 if jax.config.jax_enable_x64 else jnp.int32)
    # trunc_normal_(a=-3, b=3) approximated by clipped standard normal
    embeddings = jnp.clip(jax.random.normal(k2, (NUM_EMBEDDINGS, EMBEDDING_DIM), dtype=jnp.float32), -3.0, 3.0)
    return {"token_ids": token_ids, "embeddings": embeddings}

def reference(token_ids, embeddings):
    # self.embeddings[token_ids]
    return jnp.take(embeddings, token_ids, axis=0)

if __name__ == "__main__":
    import jax
    _d = setup_inputs()
    print(jax.jit(kernel)(*tuple(_d.values())))

</pallas_src>

<mosaic_0001>
#map = affine_map<(d0, d1) -> (0, 0)>
#map1 = affine_map<(d0, d1) -> (0, 0, 0)>
module attributes {stable_mosaic.version = 14 : i64} {
  func.func @_gather_kernel(%arg0: i32, %arg1: i32, %arg2: memref<50x16384xi32, #tpu.memory_space<hbm>>, %arg3: memref<1000000x32xf32, #tpu.memory_space<hbm>>, %arg4: memref<16384x50x32xf32, #tpu.memory_space<hbm>>, %arg5: memref<50x512xi32, #tpu.memory_space<vmem>>, %arg6: memref<512x32xf32, #tpu.memory_space<vmem>>, %arg7: memref<512x32xf32, #tpu.memory_space<vmem>>, %arg8: memref<512x32xf32, #tpu.memory_space<vmem>>, %arg9: memref<512x32xf32, #tpu.memory_space<vmem>>, %arg10: memref<512x32xf32, #tpu.memory_space<vmem>>, %arg11: memref<!tpu.dma_semaphore, #tpu.memory_space<semaphore_mem>>, %arg12: memref<!tpu.dma_semaphore, #tpu.memory_space<semaphore_mem>>, %arg13: memref<!tpu.dma_semaphore, #tpu.memory_space<semaphore_mem>>, %arg14: memref<!tpu.dma_semaphore, #tpu.memory_space<semaphore_mem>>, %arg15: memref<!tpu.dma_semaphore, #tpu.memory_space<semaphore_mem>>, %arg16: memref<!tpu.dma_semaphore, #tpu.memory_space<semaphore_mem>>, %arg17: memref<!tpu.dma_semaphore, #tpu.memory_space<semaphore_mem>>, %arg18: memref<!tpu.dma_semaphore, #tpu.memory_space<semaphore_mem>>, %arg19: memref<!tpu.dma_semaphore, #tpu.memory_space<semaphore_mem>>, %arg20: memref<!tpu.dma_semaphore, #tpu.memory_space<semaphore_mem>>) attributes {dimension_semantics = [#tpu.dimension_semantics<core_parallel>, #tpu.dimension_semantics<subcore_parallel>], iteration_bounds = array<i64: 2, 16>, scalar_prefetch = 0 : i64, scratch_operands = 16 : i64, tpu.core_type = #tpu.core_type<sc_vector_subcore>, window_params = [{transform_indices = #map}, {transform_indices = #map}, {transform_indices = #map1}]} {
    %mul3A = arith.constant 2 : i32
    %mul3A_0 = arith.muli %arg1, %mul3A : i32
    %add3A = arith.addi %mul3A_0, %arg0 : i32
    %mul3A_1 = arith.constant 512 : i32
    %mul3A_2 = arith.muli %add3A, %mul3A_1 : i32
    "tpu.region"() ({
      %run_scoped3A = tpu.sem_alloc : memref<!tpu.dma_semaphore, #tpu.memory_space<semaphore_mem>>
      %dma_start3A_62 = arith.constant 0 : i32
      %dma_start3A_63 = tpu.memref_slice %arg2[%dma_start3A_62, %mul3A_2] : memref<50x16384xi32, #tpu.memory_space<hbm>> -> memref<50x512xi32, #tpu.memory_space<hbm>>
      %dma_start3A_64 = arith.constant 0 : i32
      %dma_start3A_65 = tpu.memref_slice %arg2[%dma_start3A_64, %mul3A_2] : memref<50x16384xi32, #tpu.memory_space<hbm>> -> memref<50x512xi32, #tpu.memory_space<hbm>>
      tpu.enqueue_dma source(%dma_start3A_65 : memref<50x512xi32, #tpu.memory_space<hbm>>) target(%arg5 : memref<50x512xi32, #tpu.memory_space<vmem>>) target_semaphore(%run_scoped3A : memref<!tpu.dma_semaphore, #tpu.memory_space<semaphore_mem>>)
      %dma_wait3A_66 = arith.constant 0 : i32
      %dma_wait3A_67 = tpu.memref_slice %arg2[%dma_wait3A_66, %mul3A_2] : memref<50x16384xi32, #tpu.memory_space<hbm>> -> memref<50x512xi32, #tpu.memory_space<hbm>>
      %dma_wait3A_68 = arith.constant 0 : i32
      %dma_wait3A_69 = tpu.memref_slice %arg2[%dma_wait3A_68, %mul3A_2] : memref<50x16384xi32, #tpu.memory_space<hbm>> -> memref<50x512xi32, #tpu.memory_space<hbm>>
      tpu.wait_dma2 semaphore(%run_scoped3A : memref<!tpu.dma_semaphore, #tpu.memory_space<semaphore_mem>>) src(%dma_wait3A_69 : memref<50x512xi32, #tpu.memory_space<hbm>>) dst(%arg5 : memref<50x512xi32, #tpu.memory_space<vmem>>)
      tpu.yield
    }) : () -> ()
    %dma_start3A = arith.constant 0 : i32
    %dma_start3A_3 = arith.constant 0 : i32
    %dma_start3A_4 = tpu.memref_slice %arg5[%dma_start3A, %dma_start3A_3] : memref<50x512xi32, #tpu.memory_space<vmem>> -> memref<1x512xi32, #tpu.memory_space<vmem>>
    %dma_start3A_5 = tpu.memref_squeeze %dma_start3A_4 : memref<1x512xi32, #tpu.memory_space<vmem>> -> memref<512xi32, #tpu.memory_space<vmem>>
    %dma_start3A_6 = arith.constant 0 : i32
    %dma_start3A_7 = arith.constant 0 : i32
    %dma_start3A_8 = tpu.memref_slice %arg3[%dma_start3A_6, %dma_start3A_7] : memref<1000000x32xf32, #tpu.memory_space<hbm>> -> memref<1000000x32xf32, #tpu.memory_space<hbm>>
    tpu.enqueue_indirect_dma source(%dma_start3A_8 : memref<1000000x32xf32, #tpu.memory_space<hbm>>) target(%arg6 : memref<512x32xf32, #tpu.memory_space<vmem>>) offsets(%dma_start3A_5 : memref<512xi32, #tpu.memory_space<vmem>>) semaphore(%arg11 : memref<!tpu.dma_semaphore, #tpu.memory_space<semaphore_mem>>)
    %dma_start3A_9 = arith.constant 1 : i32
    %dma_start3A_10 = arith.constant 0 : i32
    %dma_start3A_11 = tpu.memref_slice %arg5[%dma_start3A_9, %dma_start3A_10] : memref<50x512xi32, #tpu.memory_space<vmem>> -> memref<1x512xi32, #tpu.memory_space<vmem>>
    %dma_start3A_12 = tpu.memref_squeeze %dma_start3A_11 : memref<1x512xi32, #tpu.memory_space<vmem>> -> memref<512xi32, #tpu.memory_space<vmem>>
    %dma_start3A_13 = arith.constant 0 : i32
    %dma_start3A_14 = arith.constant 0 : i32
    %dma_start3A_15 = tpu.memref_slice %arg3[%dma_start3A_13, %dma_start3A_14] : memref<1000000x32xf32, #tpu.memory_space<hbm>> -> memref<1000000x32xf32, #tpu.memory_space<hbm>>
    tpu.enqueue_indirect_dma source(%dma_start3A_15 : memref<1000000x32xf32, #tpu.memory_space<hbm>>) target(%arg7 : memref<512x32xf32, #tpu.memory_space<vmem>>) offsets(%dma_start3A_12 : memref<512xi32, #tpu.memory_space<vmem>>) semaphore(%arg12 : memref<!tpu.dma_semaphore, #tpu.memory_space<semaphore_mem>>)
    %dma_start3A_16 = arith.constant 2 : i32
    %dma_start3A_17 = arith.constant 0 : i32
    %dma_start3A_18 = tpu.memref_slice %arg5[%dma_start3A_16, %dma_start3A_17] : memref<50x512xi32, #tpu.memory_space<vmem>> -> memref<1x512xi32, #tpu.memory_space<vmem>>
    %dma_start3A_19 = tpu.memref_squeeze %dma_start3A_18 : memref<1x512xi32, #tpu.memory_space<vmem>> -> memref<512xi32, #tpu.memory_space<vmem>>
    %dma_start3A_20 = arith.constant 0 : i32
    %dma_start3A_21 = arith.constant 0 : i32
    %dma_start3A_22 = tpu.memref_slice %arg3[%dma_start3A_20, %dma_start3A_21] : memref<1000000x32xf32, #tpu.memory_space<hbm>> -> memref<1000000x32xf32, #tpu.memory_space<hbm>>
    tpu.enqueue_indirect_dma source(%dma_start3A_22 : memref<1000000x32xf32, #tpu.memory_space<hbm>>) target(%arg8 : memref<512x32xf32, #tpu.memory_space<vmem>>) offsets(%dma_start3A_19 : memref<512xi32, #tpu.memory_space<vmem>>) semaphore(%arg13 : memref<!tpu.dma_semaphore, #tpu.memory_space<semaphore_mem>>)
    %scan3A = arith.constant 0 : i32
    %scan3A_23 = arith.constant 0 : i32
    %scan3A_24 = arith.constant 10 : i32
    %scan3A_25 = arith.addi %scan3A_23, %scan3A_24 : i32
    %scan3A_26 = arith.constant 1 : i32
    scf.for %scan3A_62 = %scan3A_23 to %scan3A_25 step %scan3A_26  : i32 {
      %mul3A_63 = arith.constant 5 : i32
      %mul3A_64 = arith.muli %scan3A_62, %mul3A_63 : i32
      %add3A_65 = arith.constant 0 : i32
      %add3A_66 = arith.addi %mul3A_64, %add3A_65 : i32
      %add3A_67 = arith.constant 5 : i32
      %add3A_68 = arith.addi %add3A_66, %add3A_67 : i32
      %sub3A = arith.constant 2 : i32
      %sub3A_69 = arith.subi %add3A_68, %sub3A : i32
      %lt3A = arith.constant 50 : i32
      %lt3A_70 = arith.cmpi slt, %sub3A_69, %lt3A : i32
      %ge3A = arith.constant 2 : i32
      %ge3A_71 = arith.cmpi sge, %add3A_66, %ge3A : i32
      %and3A = arith.andi %lt3A_70, %ge3A_71 : i1
      %convert_element_type3A = arith.extui %and3A : i1 to i32
      %cond3A = arith.constant 0 : i32
      %cond3A_72 = arith.cmpi ne, %convert_element_type3A, %cond3A : i32
      scf.if %cond3A_72 {
        %sub3A_222 = arith.constant 2 : i32
        %sub3A_223 = arith.subi %add3A_66, %sub3A_222 : i32
        %dma_wait3A_224 = arith.constant 0 : i32
        %dma_wait3A_225 = tpu.memref_slice %arg4[%mul3A_2, %sub3A_223, %dma_wait3A_224] : memref<16384x50x32xf32, #tpu.memory_space<hbm>> -> memref<512x1x32xf32, #tpu.memory_space<hbm>>
        %dma_wait3A_226 = tpu.memref_squeeze %dma_wait3A_225 : memref<512x1x32xf32, #tpu.memory_space<hbm>> -> memref<512x32xf32, #tpu.memory_space<hbm>>
        %dma_wait3A_227 = arith.constant 0 : i32
        %dma_wait3A_228 = tpu.memref_slice %arg4[%mul3A_2, %sub3A_223, %dma_wait3A_227] : memref<16384x50x32xf32, #tpu.memory_space<hbm>> -> memref<512x1x32xf32, #tpu.memory_space<hbm>>
        %dma_wait3A_229 = tpu.memref_squeeze %dma_wait3A_228 : memref<512x1x32xf32, #tpu.memory_space<hbm>> -> memref<512x32xf32, #tpu.memory_space<hbm>>
        tpu.wait_dma2 semaphore(%arg19 : memref<!tpu.dma_semaphore, #tpu.memory_space<semaphore_mem>>) src(%arg9 : memref<512x32xf32, #tpu.memory_space<vmem>>) dst(%dma_wait3A_229 : memref<512x32xf32, #tpu.memory_space<hbm>>)
      } else {
      }
      %lt3A_73 = arith.constant 50 : i32
      %lt3A_74 = arith.cmpi slt, %sub3A_69, %lt3A_73 : i32
      %convert_element_type3A_75 = arith.extui %lt3A_74 : i1 to i32
      %cond3A_76 = arith.constant 0 : i32
      %cond3A_77 = arith.cmpi ne, %convert_element_type3A_75, %cond3A_76 : i32
      scf.if %cond3A_77 {
        %dma_start3A_222 = arith.constant 0 : i32
        %dma_start3A_223 = tpu.memref_slice %arg5[%sub3A_69, %dma_start3A_222] : memref<50x512xi32, #tpu.memory_space<vmem>> -> memref<1x512xi32, #tpu.memory_space<vmem>>
        %dma_start3A_224 = tpu.memref_squeeze %dma_start3A_223 : memref<1x512xi32, #tpu.memory_space<vmem>> -> memref<512xi32, #tpu.memory_space<vmem>>
        %dma_start3A_225 = arith.constant 0 : i32
        %dma_start3A_226 = arith.constant 0 : i32
        %dma_start3A_227 = tpu.memref_slice %arg3[%dma_start3A_225, %dma_start3A_226] : memref<1000000x32xf32, #tpu.memory_space<hbm>> -> memref<1000000x32xf32, #tpu.memory_space<hbm>>
        tpu.enqueue_indirect_dma source(%dma_start3A_227 : memref<1000000x32xf32, #tpu.memory_space<hbm>>) target(%arg9 : memref<512x32xf32, #tpu.memory_space<vmem>>) offsets(%dma_start3A_224 : memref<512xi32, #tpu.memory_space<vmem>>) semaphore(%arg14 : memref<!tpu.dma_semaphore, #tpu.memory_space<semaphore_mem>>)
      } else {
      }
      %dma_wait3A_78 = arith.constant 0 : i32
      %dma_wait3A_79 = tpu.memref_slice %arg5[%add3A_66, %dma_wait3A_78] : memref<50x512xi32, #tpu.memory_space<vmem>> -> memref<1x512xi32, #tpu.memory_space<vmem>>
      %dma_wait3A_80 = tpu.memref_squeeze %dma_wait3A_79 : memref<1x512xi32, #tpu.memory_space<vmem>> -> memref<512xi32, #tpu.memory_space<vmem>>
      %dma_wait3A_81 = arith.constant 0 : i32
      %dma_wait3A_82 = arith.constant 0 : i32
      %dma_wait3A_83 = tpu.memref_slice %arg3[%dma_wait3A_81, %dma_wait3A_82] : memref<1000000x32xf32, #tpu.memory_space<hbm>> -> memref<1000000x32xf32, #tpu.memory_space<hbm>>
      tpu.wait_indirect_dma semaphore(%arg11 : memref<!tpu.dma_semaphore, #tpu.memory_space<semaphore_mem>>) src(%dma_wait3A_83 : memref<1000000x32xf32, #tpu.memory_space<hbm>>) dst(%arg6 : memref<512x32xf32, #tpu.memory_space<vmem>>)
      %dma_start3A_84 = arith.constant 0 : i32
      %dma_start3A_85 = tpu.memref_slice %arg4[%mul3A_2, %add3A_66, %dma_start3A_84] : memref<16384x50x32xf32, #tpu.memory_space<hbm>> -> memref<512x1x32xf32, #tpu.memory_space<hbm>>
      %dma_start3A_86 = tpu.memref_squeeze %dma_start3A_85 : memref<512x1x32xf32, #tpu.memory_space<hbm>> -> memref<512x32xf32, #tpu.memory_space<hbm>>
      %dma_start3A_87 = arith.constant 0 : i32
      %dma_start3A_88 = tpu.memref_slice %arg4[%mul3A_2, %add3A_66, %dma_start3A_87] : memref<16384x50x32xf32, #tpu.memory_space<hbm>> -> memref<512x1x32xf32, #tpu.memory_space<hbm>>
      %dma_start3A_89 = tpu.memref_squeeze %dma_start3A_88 : memref<512x1x32xf32, #tpu.memory_space<hbm>> -> memref<512x32xf32, #tpu.memory_space<hbm>>
      tpu.enqueue_dma source(%arg6 : memref<512x32xf32, #tpu.memory_space<vmem>>) target(%dma_start3A_89 : memref<512x32xf32, #tpu.memory_space<hbm>>) target_semaphore(%arg16 : memref<!tpu.dma_semaphore, #tpu.memory_space<semaphore_mem>>)
      %mul3A_90 = arith.constant 5 : i32
      %mul3A_91 = arith.muli %scan3A_62, %mul3A_90 : i32
      %add3A_92 = arith.constant 1 : i32
      %add3A_93 = arith.addi %mul3A_91, %add3A_92 : i32
      %add3A_94 = arith.constant 5 : i32
      %add3A_95 = arith.addi %add3A_93, %add3A_94 : i32
      %sub3A_96 = arith.constant 2 : i32
      %sub3A_97 = arith.subi %add3A_95, %sub3A_96 : i32
      %lt3A_98 = arith.constant 50 : i32
      %lt3A_99 = arith.cmpi slt, %sub3A_97, %lt3A_98 : i32
      %ge3A_100 = arith.constant 2 : i32
      %ge3A_101 = arith.cmpi sge, %add3A_93, %ge3A_100 : i32
      %and3A_102 = arith.andi %lt3A_99, %ge3A_101 : i1
      %convert_element_type3A_103 = arith.extui %and3A_102 : i1 to i32
      %cond3A_104 = arith.constant 0 : i32
      %cond3A_105 = arith.cmpi ne, %convert_element_type3A_103, %cond3A_104 : i32
      scf.if %cond3A_105 {
        %sub3A_222 = arith.constant 2 : i32
        %sub3A_223 = arith.subi %add3A_93, %sub3A_222 : i32
        %dma_wait3A_224 = arith.constant 0 : i32
        %dma_wait3A_225 = tpu.memref_slice %arg4[%mul3A_2, %sub3A_223, %dma_wait3A_224] : memref<16384x50x32xf32, #tpu.memory_space<hbm>> -> memref<512x1x32xf32, #tpu.memory_space<hbm>>
        %dma_wait3A_226 = tpu.memref_squeeze %dma_wait3A_225 : memref<512x1x32xf32, #tpu.memory_space<hbm>> -> memref<512x32xf32, #tpu.memory_space<hbm>>
        %dma_wait3A_227 = arith.constant 0 : i32
        %dma_wait3A_228 = tpu.memref_slice %arg4[%mul3A_2, %sub3A_223, %dma_wait3A_227] : memref<16384x50x32xf32, #tpu.memory_space<hbm>> -> memref<512x1x32xf32, #tpu.memory_space<hbm>>
        %dma_wait3A_229 = tpu.memref_squeeze %dma_wait3A_228 : memref<512x1x32xf32, #tpu.memory_space<hbm>> -> memref<512x32xf32, #tpu.memory_space<hbm>>
        tpu.wait_dma2 semaphore(%arg20 : memref<!tpu.dma_semaphore, #tpu.memory_space<semaphore_mem>>) src(%arg10 : memref<512x32xf32, #tpu.memory_space<vmem>>) dst(%dma_wait3A_229 : memref<512x32xf32, #tpu.memory_space<hbm>>)
      } else {
      }
      %lt3A_106 = arith.constant 50 : i32
      %lt3A_107 = arith.cmpi slt, %sub3A_97, %lt3A_106 : i32
      %convert_element_type3A_108 = arith.extui %lt3A_107 : i1 to i32
      %cond3A_109 = arith.constant 0 : i32
      %cond3A_110 = arith.cmpi ne, %convert_element_type3A_108, %cond3A_109 : i32
      scf.if %cond3A_110 {
        %dma_start3A_222 = arith.constant 0 : i32
        %dma_start3A_223 = tpu.memref_slice %arg5[%sub3A_97, %dma_start3A_222] : memref<50x512xi32, #tpu.memory_space<vmem>> -> memref<1x512xi32, #tpu.memory_space<vmem>>
        %dma_start3A_224 = tpu.memref_squeeze %dma_start3A_223 : memref<1x512xi32, #tpu.memory_space<vmem>> -> memref<512xi32, #tpu.memory_space<vmem>>
        %dma_start3A_225 = arith.constant 0 : i32
        %dma_start3A_226 = arith.constant 0 : i32
        %dma_start3A_227 = tpu.memref_slice %arg3[%dma_start3A_225, %dma_start3A_226] : memref<1000000x32xf32, #tpu.memory_space<hbm>> -> memref<1000000x32xf32, #tpu.memory_space<hbm>>
        tpu.enqueue_indirect_dma source(%dma_start3A_227 : memref<1000000x32xf32, #tpu.memory_space<hbm>>) target(%arg10 : memref<512x32xf32, #tpu.memory_space<vmem>>) offsets(%dma_start3A_224 : memref<512xi32, #tpu.memory_space<vmem>>) semaphore(%arg15 : memref<!tpu.dma_semaphore, #tpu.memory_space<semaphore_mem>>)
      } else {
      }
      %dma_wait3A_111 = arith.constant 0 : i32
      %dma_wait3A_112 = tpu.memref_slice %arg5[%add3A_93, %dma_wait3A_111] : memref<50x512xi32, #tpu.memory_space<vmem>> -> memref<1x512xi32, #tpu.memory_space<vmem>>
      %dma_wait3A_113 = tpu.memref_squeeze %dma_wait3A_112 : memref<1x512xi32, #tpu.memory_space<vmem>> -> memref<512xi32, #tpu.memory_space<vmem>>
      %dma_wait3A_114 = arith.constant 0 : i32
      %dma_wait3A_115 = arith.constant 0 : i32
      %dma_wait3A_116 = tpu.memref_slice %arg3[%dma_wait3A_114, %dma_wait3A_115] : memref<1000000x32xf32, #tpu.memory_space<hbm>> -> memref<1000000x32xf32, #tpu.memory_space<hbm>>
      tpu.wait_indirect_dma semaphore(%arg12 : memref<!tpu.dma_semaphore, #tpu.memory_space<semaphore_mem>>) src(%dma_wait3A_116 : memref<1000000x32xf32, #tpu.memory_space<hbm>>) dst(%arg7 : memref<512x32xf32, #tpu.memory_space<vmem>>)
      %dma_start3A_117 = arith.constant 0 : i32
      %dma_start3A_118 = tpu.memref_slice %arg4[%mul3A_2, %add3A_93, %dma_start3A_117] : memref<16384x50x32xf32, #tpu.memory_space<hbm>> -> memref<512x1x32xf32, #tpu.memory_space<hbm>>
      %dma_start3A_119 = tpu.memref_squeeze %dma_start3A_118 : memref<512x1x32xf32, #tpu.memory_space<hbm>> -> memref<512x32xf32, #tpu.memory_space<hbm>>
      %dma_start3A_120 = arith.constant 0 : i32
      %dma_start3A_121 = tpu.memref_slice %arg4[%mul3A_2, %add3A_93, %dma_start3A_120] : memref<16384x50x32xf32, #tpu.memory_space<hbm>> -> memref<512x1x32xf32, #tpu.memory_space<hbm>>
      %dma_start3A_122 = tpu.memref_squeeze %dma_start3A_121 : memref<512x1x32xf32, #tpu.memory_space<hbm>> -> memref<512x32xf32, #tpu.memory_space<hbm>>
      tpu.enqueue_dma source(%arg7 : memref<512x32xf32, #tpu.memory_space<vmem>>) target(%dma_start3A_122 : memref<512x32xf32, #tpu.memory_space<hbm>>) target_semaphore(%arg17 : memref<!tpu.dma_semaphore, #tpu.memory_space<semaphore_mem>>)
      %mul3A_123 = arith.constant 5 : i32
      %mul3A_124 = arith.muli %scan3A_62, %mul3A_123 : i32
      %add3A_125 = arith.constant 2 : i32
      %add3A_126 = arith.addi %mul3A_124, %add3A_125 : i32
      %add3A_127 = arith.constant 5 : i32
      %add3A_128 = arith.addi %add3A_126, %add3A_127 : i32
      %sub3A_129 = arith.constant 2 : i32
      %sub3A_130 = arith.subi %add3A_128, %sub3A_129 : i32
      %lt3A_131 = arith.constant 50 : i32
      %lt3A_132 = arith.cmpi slt, %sub3A_130, %lt3A_131 : i32
      %ge3A_133 = arith.constant 2 : i32
      %ge3A_134 = arith.cmpi sge, %add3A_126, %ge3A_133 : i32
      %and3A_135 = arith.andi %lt3A_132, %ge3A_134 : i1
      %convert_element_type3A_136 = arith.extui %and3A_135 : i1 to i32
      %cond3A_137 = arith.constant 0 : i32
      %cond3A_138 = arith.cmpi ne, %convert_element_type3A_136, %cond3A_137 : i32
      scf.if %cond3A_138 {
        %sub3A_222 = arith.constant 2 : i32
        %sub3A_223 = arith.subi %add3A_126, %sub3A_222 : i32
        %dma_wait3A_224 = arith.constant 0 : i32
        %dma_wait3A_225 = tpu.memref_slice %arg4[%mul3A_2, %sub3A_223, %dma_wait3A_224] : memref<16384x50x32xf32, #tpu.memory_space<hbm>> -> memref<512x1x32xf32, #tpu.memory_space<hbm>>
        %dma_wait3A_226 = tpu.memref_squeeze %dma_wait3A_225 : memref<512x1x32xf32, #tpu.memory_space<hbm>> -> memref<512x32xf32, #tpu.memory_space<hbm>>
        %dma_wait3A_227 = arith.constant 0 : i32
        %dma_wait3A_228 = tpu.memref_slice %arg4[%mul3A_2, %sub3A_223, %dma_wait3A_227] : memref<16384x50x32xf32, #tpu.memory_space<hbm>> -> memref<512x1x32xf32, #tpu.memory_space<hbm>>
        %dma_wait3A_229 = tpu.memref_squeeze %dma_wait3A_228 : memref<512x1x32xf32, #tpu.memory_space<hbm>> -> memref<512x32xf32, #tpu.memory_space<hbm>>
        tpu.wait_dma2 semaphore(%arg16 : memref<!tpu.dma_semaphore, #tpu.memory_space<semaphore_mem>>) src(%arg6 : memref<512x32xf32, #tpu.memory_space<vmem>>) dst(%dma_wait3A_229 : memref<512x32xf32, #tpu.memory_space<hbm>>)
      } else {
      }
      %lt3A_139 = arith.constant 50 : i32
      %lt3A_140 = arith.cmpi slt, %sub3A_130, %lt3A_139 : i32
      %convert_element_type3A_141 = arith.extui %lt3A_140 : i1 to i32
      %cond3A_142 = arith.constant 0 : i32
      %cond3A_143 = arith.cmpi ne, %convert_element_type3A_141, %cond3A_142 : i32
      scf.if %cond3A_143 {
        %dma_start3A_222 = arith.constant 0 : i32
        %dma_start3A_223 = tpu.memref_slice %arg5[%sub3A_130, %dma_start3A_222] : memref<50x512xi32, #tpu.memory_space<vmem>> -> memref<1x512xi32, #tpu.memory_space<vmem>>
        %dma_start3A_224 = tpu.memref_squeeze %dma_start3A_223 : memref<1x512xi32, #tpu.memory_space<vmem>> -> memref<512xi32, #tpu.memory_space<vmem>>
        %dma_start3A_225 = arith.constant 0 : i32
        %dma_start3A_226 = arith.constant 0 : i32
        %dma_start3A_227 = tpu.memref_slice %arg3[%dma_start3A_225, %dma_start3A_226] : memref<1000000x32xf32, #tpu.memory_space<hbm>> -> memref<1000000x32xf32, #tpu.memory_space<hbm>>
        tpu.enqueue_indirect_dma source(%dma_start3A_227 : memref<1000000x32xf32, #tpu.memory_space<hbm>>) target(%arg6 : memref<512x32xf32, #tpu.memory_space<vmem>>) offsets(%dma_start3A_224 : memref<512xi32, #tpu.memory_space<vmem>>) semaphore(%arg11 : memref<!tpu.dma_semaphore, #tpu.memory_space<semaphore_mem>>)
      } else {
      }
      %dma_wait3A_144 = arith.constant 0 : i32
      %dma_wait3A_145 = tpu.memref_slice %arg5[%add3A_126, %dma_wait3A_144] : memref<50x512xi32, #tpu.memory_space<vmem>> -> memref<1x512xi32, #tpu.memory_space<vmem>>
      %dma_wait3A_146 = tpu.memref_squeeze %dma_wait3A_145 : memref<1x512xi32, #tpu.memory_space<vmem>> -> memref<512xi32, #tpu.memory_space<vmem>>
      %dma_wait3A_147 = arith.constant 0 : i32
      %dma_wait3A_148 = arith.constant 0 : i32
      %dma_wait3A_149 = tpu.memref_slice %arg3[%dma_wait3A_147, %dma_wait3A_148] : memref<1000000x32xf32, #tpu.memory_space<hbm>> -> memref<1000000x32xf32, #tpu.memory_space<hbm>>
      tpu.wait_indirect_dma semaphore(%arg13 : memref<!tpu.dma_semaphore, #tpu.memory_space<semaphore_mem>>) src(%dma_wait3A_149 : memref<1000000x32xf32, #tpu.memory_space<hbm>>) dst(%arg8 : memref<512x32xf32, #tpu.memory_space<vmem>>)
      %dma_start3A_150 = arith.constant 0 : i32
      %dma_start3A_151 = tpu.memref_slice %arg4[%mul3A_2, %add3A_126, %dma_start3A_150] : memref<16384x50x32xf32, #tpu.memory_space<hbm>> -> memref<512x1x32xf32, #tpu.memory_space<hbm>>
      %dma_start3A_152 = tpu.memref_squeeze %dma_start3A_151 : memref<512x1x32xf32, #tpu.memory_space<hbm>> -> memref<512x32xf32, #tpu.memory_space<hbm>>
      %dma_start3A_153 = arith.constant 0 : i32
      %dma_start3A_154 = tpu.memref_slice %arg4[%mul3A_2, %add3A_126, %dma_start3A_153] : memref<16384x50x32xf32, #tpu.memory_space<hbm>> -> memref<512x1x32xf32, #tpu.memory_space<hbm>>
      %dma_start3A_155 = tpu.memref_squeeze %dma_start3A_154 : memref<512x1x32xf32, #tpu.memory_space<hbm>> -> memref<512x32xf32, #tpu.memory_space<hbm>>
      tpu.enqueue_dma source(%arg8 : memref<512x32xf32, #tpu.memory_space<vmem>>) target(%dma_start3A_155 : memref<512x32xf32, #tpu.memory_space<hbm>>) target_semaphore(%arg18 : memref<!tpu.dma_semaphore, #tpu.memory_space<semaphore_mem>>)
      %mul3A_156 = arith.constant 5 : i32
      %mul3A_157 = arith.muli %scan3A_62, %mul3A_156 : i32
      %add3A_158 = arith.constant 3 : i32
      %add3A_159 = arith.addi %mul3A_157, %add3A_158 : i32
      %add3A_160 = arith.constant 5 : i32
      %add3A_161 = arith.addi %add3A_159, %add3A_160 : i32
      %sub3A_162 = arith.constant 2 : i32
      %sub3A_163 = arith.subi %add3A_161, %sub3A_162 : i32
      %lt3A_164 = arith.constant 50 : i32
      %lt3A_165 = arith.cmpi slt, %sub3A_163, %lt3A_164 : i32
      %ge3A_166 = arith.constant 2 : i32
      %ge3A_167 = arith.cmpi sge, %add3A_159, %ge3A_166 : i32
      %and3A_168 = arith.andi %lt3A_165, %ge3A_167 : i1
      %convert_element_type3A_169 = arith.extui %and3A_168 : i1 to i32
      %cond3A_170 = arith.constant 0 : i32
      %cond3A_171 = arith.cmpi ne, %convert_element_type3A_169, %cond3A_170 : i32
      scf.if %cond3A_171 {
        %sub3A_222 = arith.constant 2 : i32
        %sub3A_223 = arith.subi %add3A_159, %sub3A_222 : i32
        %dma_wait3A_224 = arith.constant 0 : i32
        %dma_wait3A_225 = tpu.memref_slice %arg4[%mul3A_2, %sub3A_223, %dma_wait3A_224] : memref<16384x50x32xf32, #tpu.memory_space<hbm>> -> memref<512x1x32xf32, #tpu.memory_space<hbm>>
        %dma_wait3A_226 = tpu.memref_squeeze %dma_wait3A_225 : memref<512x1x32xf32, #tpu.memory_space<hbm>> -> memref<512x32xf32, #tpu.memory_space<hbm>>
        %dma_wait3A_227 = arith.constant 0 : i32
        %dma_wait3A_228 = tpu.memref_slice %arg4[%mul3A_2, %sub3A_223, %dma_wait3A_227] : memref<16384x50x32xf32, #tpu.memory_space<hbm>> -> memref<512x1x32xf32, #tpu.memory_space<hbm>>
        %dma_wait3A_229 = tpu.memref_squeeze %dma_wait3A_228 : memref<512x1x32xf32, #tpu.memory_space<hbm>> -> memref<512x32xf32, #tpu.memory_space<hbm>>
        tpu.wait_dma2 semaphore(%arg17 : memref<!tpu.dma_semaphore, #tpu.memory_space<semaphore_mem>>) src(%arg7 : memref<512x32xf32, #tpu.memory_space<vmem>>) dst(%dma_wait3A_229 : memref<512x32xf32, #tpu.memory_space<hbm>>)
      } else {
      }
      %lt3A_172 = arith.constant 50 : i32
      %lt3A_173 = arith.cmpi slt, %sub3A_163, %lt3A_172 : i32
      %convert_element_type3A_174 = arith.extui %lt3A_173 : i1 to i32
      %cond3A_175 = arith.constant 0 : i32
      %cond3A_176 = arith.cmpi ne, %convert_element_type3A_174, %cond3A_175 : i32
      scf.if %cond3A_176 {
        %dma_start3A_222 = arith.constant 0 : i32
        %dma_start3A_223 = tpu.memref_slice %arg5[%sub3A_163, %dma_start3A_222] : memref<50x512xi32, #tpu.memory_space<vmem>> -> memref<1x512xi32, #tpu.memory_space<vmem>>
        %dma_start3A_224 = tpu.memref_squeeze %dma_start3A_223 : memref<1x512xi32, #tpu.memory_space<vmem>> -> memref<512xi32, #tpu.memory_space<vmem>>
        %dma_start3A_225 = arith.constant 0 : i32
        %dma_start3A_226 = arith.constant 0 : i32
        %dma_start3A_227 = tpu.memref_slice %arg3[%dma_start3A_225, %dma_start3A_226] : memref<1000000x32xf32, #tpu.memory_space<hbm>> -> memref<1000000x32xf32, #tpu.memory_space<hbm>>
        tpu.enqueue_indirect_dma source(%dma_start3A_227 : memref<1000000x32xf32, #tpu.memory_space<hbm>>) target(%arg7 : memref<512x32xf32, #tpu.memory_space<vmem>>) offsets(%dma_start3A_224 : memref<512xi32, #tpu.memory_space<vmem>>) semaphore(%arg12 : memref<!tpu.dma_semaphore, #tpu.memory_space<semaphore_mem>>)
      } else {
      }
      %dma_wait3A_177 = arith.constant 0 : i32
      %dma_wait3A_178 = tpu.memref_slice %arg5[%add3A_159, %dma_wait3A_177] : memref<50x512xi32, #tpu.memory_space<vmem>> -> memref<1x512xi32, #tpu.memory_space<vmem>>
      %dma_wait3A_179 = tpu.memref_squeeze %dma_wait3A_178 : memref<1x512xi32, #tpu.memory_space<vmem>> -> memref<512xi32, #tpu.memory_space<vmem>>
      %dma_wait3A_180 = arith.constant 0 : i32
      %dma_wait3A_181 = arith.constant 0 : i32
      %dma_wait3A_182 = tpu.memref_slice %arg3[%dma_wait3A_180, %dma_wait3A_181] : memref<1000000x32xf32, #tpu.memory_space<hbm>> -> memref<1000000x32xf32, #tpu.memory_space<hbm>>
      tpu.wait_indirect_dma semaphore(%arg14 : memref<!tpu.dma_semaphore, #tpu.memory_space<semaphore_mem>>) src(%dma_wait3A_182 : memref<1000000x32xf32, #tpu.memory_space<hbm>>) dst(%arg9 : memref<512x32xf32, #tpu.memory_space<vmem>>)
      %dma_start3A_183 = arith.constant 0 : i32
      %dma_start3A_184 = tpu.memref_slice %arg4[%mul3A_2, %add3A_159, %dma_start3A_183] : memref<16384x50x32xf32, #tpu.memory_space<hbm>> -> memref<512x1x32xf32, #tpu.memory_space<hbm>>
      %dma_start3A_185 = tpu.memref_squeeze %dma_start3A_184 : memref<512x1x32xf32, #tpu.memory_space<hbm>> -> memref<512x32xf32, #tpu.memory_space<hbm>>
      %dma_start3A_186 = arith.constant 0 : i32
      %dma_start3A_187 = tpu.memref_slice %arg4[%mul3A_2, %add3A_159, %dma_start3A_186] : memref<16384x50x32xf32, #tpu.memory_space<hbm>> -> memref<512x1x32xf32, #tpu.memory_space<hbm>>
      %dma_start3A_188 = tpu.memref_squeeze %dma_start3A_187 : memref<512x1x32xf32, #tpu.memory_space<hbm>> -> memref<512x32xf32, #tpu.memory_space<hbm>>
      tpu.enqueue_dma source(%arg9 : memref<512x32xf32, #tpu.memory_space<vmem>>) target(%dma_start3A_188 : memref<512x32xf32, #tpu.memory_space<hbm>>) target_semaphore(%arg19 : memref<!tpu.dma_semaphore, #tpu.memory_space<semaphore_mem>>)
      %mul3A_189 = arith.constant 5 : i32
      %mul3A_190 = arith.muli %scan3A_62, %mul3A_189 : i32
      %add3A_191 = arith.constant 4 : i32
      %add3A_192 = arith.addi %mul3A_190, %add3A_191 : i32
      %add3A_193 = arith.constant 5 : i32
      %add3A_194 = arith.addi %add3A_192, %add3A_193 : i32
      %sub3A_195 = arith.constant 2 : i32
      %sub3A_196 = arith.subi %add3A_194, %sub3A_195 : i32
      %lt3A_197 = arith.constant 50 : i32
      %lt3A_198 = arith.cmpi slt, %sub3A_196, %lt3A_197 : i32
      %ge3A_199 = arith.constant 2 : i32
      %ge3A_200 = arith.cmpi sge, %add3A_192, %ge3A_199 : i32
      %and3A_201 = arith.andi %lt3A_198, %ge3A_200 : i1
      %convert_element_type3A_202 = arith.extui %and3A_201 : i1 to i32
      %cond3A_203 = arith.constant 0 : i32
      %cond3A_204 = arith.cmpi ne, %convert_element_type3A_202, %cond3A_203 : i32
      scf.if %cond3A_204 {
        %sub3A_222 = arith.constant 2 : i32
        %sub3A_223 = arith.subi %add3A_192, %sub3A_222 : i32
        %dma_wait3A_224 = arith.constant 0 : i32
        %dma_wait3A_225 = tpu.memref_slice %arg4[%mul3A_2, %sub3A_223, %dma_wait3A_224] : memref<16384x50x32xf32, #tpu.memory_space<hbm>> -> memref<512x1x32xf32, #tpu.memory_space<hbm>>
        %dma_wait3A_226 = tpu.memref_squeeze %dma_wait3A_225 : memref<512x1x32xf32, #tpu.memory_space<hbm>> -> memref<512x32xf32, #tpu.memory_space<hbm>>
        %dma_wait3A_227 = arith.constant 0 : i32
        %dma_wait3A_228 = tpu.memref_slice %arg4[%mul3A_2, %sub3A_223, %dma_wait3A_227] : memref<16384x50x32xf32, #tpu.memory_space<hbm>> -> memref<512x1x32xf32, #tpu.memory_space<hbm>>
        %dma_wait3A_229 = tpu.memref_squeeze %dma_wait3A_228 : memref<512x1x32xf32, #tpu.memory_space<hbm>> -> memref<512x32xf32, #tpu.memory_space<hbm>>
        tpu.wait_dma2 semaphore(%arg18 : memref<!tpu.dma_semaphore, #tpu.memory_space<semaphore_mem>>) src(%arg8 : memref<512x32xf32, #tpu.memory_space<vmem>>) dst(%dma_wait3A_229 : memref<512x32xf32, #tpu.memory_space<hbm>>)
      } else {
      }
      %lt3A_205 = arith.constant 50 : i32
      %lt3A_206 = arith.cmpi slt, %sub3A_196, %lt3A_205 : i32
      %convert_element_type3A_207 = arith.extui %lt3A_206 : i1 to i32
      %cond3A_208 = arith.constant 0 : i32
      %cond3A_209 = arith.cmpi ne, %convert_element_type3A_207, %cond3A_208 : i32
      scf.if %cond3A_209 {
        %dma_start3A_222 = arith.constant 0 : i32
        %dma_start3A_223 = tpu.memref_slice %arg5[%sub3A_196, %dma_start3A_222] : memref<50x512xi32, #tpu.memory_space<vmem>> -> memref<1x512xi32, #tpu.memory_space<vmem>>
        %dma_start3A_224 = tpu.memref_squeeze %dma_start3A_223 : memref<1x512xi32, #tpu.memory_space<vmem>> -> memref<512xi32, #tpu.memory_space<vmem>>
        %dma_start3A_225 = arith.constant 0 : i32
        %dma_start3A_226 = arith.constant 0 : i32
        %dma_start3A_227 = tpu.memref_slice %arg3[%dma_start3A_225, %dma_start3A_226] : memref<1000000x32xf32, #tpu.memory_space<hbm>> -> memref<1000000x32xf32, #tpu.memory_space<hbm>>
        tpu.enqueue_indirect_dma source(%dma_start3A_227 : memref<1000000x32xf32, #tpu.memory_space<hbm>>) target(%arg8 : memref<512x32xf32, #tpu.memory_space<vmem>>) offsets(%dma_start3A_224 : memref<512xi32, #tpu.memory_space<vmem>>) semaphore(%arg13 : memref<!tpu.dma_semaphore, #tpu.memory_space<semaphore_mem>>)
      } else {
      }
      %dma_wait3A_210 = arith.constant 0 : i32
      %dma_wait3A_211 = tpu.memref_slice %arg5[%add3A_192, %dma_wait3A_210] : memref<50x512xi32, #tpu.memory_space<vmem>> -> memref<1x512xi32, #tpu.memory_space<vmem>>
      %dma_wait3A_212 = tpu.memref_squeeze %dma_wait3A_211 : memref<1x512xi32, #tpu.memory_space<vmem>> -> memref<512xi32, #tpu.memory_space<vmem>>
      %dma_wait3A_213 = arith.constant 0 : i32
      %dma_wait3A_214 = arith.constant 0 : i32
      %dma_wait3A_215 = tpu.memref_slice %arg3[%dma_wait3A_213, %dma_wait3A_214] : memref<1000000x32xf32, #tpu.memory_space<hbm>> -> memref<1000000x32xf32, #tpu.memory_space<hbm>>
      tpu.wait_indirect_dma semaphore(%arg15 : memref<!tpu.dma_semaphore, #tpu.memory_space<semaphore_mem>>) src(%dma_wait3A_215 : memref<1000000x32xf32, #tpu.memory_space<hbm>>) dst(%arg10 : memref<512x32xf32, #tpu.memory_space<vmem>>)
      %dma_start3A_216 = arith.constant 0 : i32
      %dma_start3A_217 = tpu.memref_slice %arg4[%mul3A_2, %add3A_192, %dma_start3A_216] : memref<16384x50x32xf32, #tpu.memory_space<hbm>> -> memref<512x1x32xf32, #tpu.memory_space<hbm>>
      %dma_start3A_218 = tpu.memref_squeeze %dma_start3A_217 : memref<512x1x32xf32, #tpu.memory_space<hbm>> -> memref<512x32xf32, #tpu.memory_space<hbm>>
      %dma_start3A_219 = arith.constant 0 : i32
      %dma_start3A_220 = tpu.memref_slice %arg4[%mul3A_2, %add3A_192, %dma_start3A_219] : memref<16384x50x32xf32, #tpu.memory_space<hbm>> -> memref<512x1x32xf32, #tpu.memory_space<hbm>>
      %dma_start3A_221 = tpu.memref_squeeze %dma_start3A_220 : memref<512x1x32xf32, #tpu.memory_space<hbm>> -> memref<512x32xf32, #tpu.memory_space<hbm>>
      tpu.enqueue_dma source(%arg10 : memref<512x32xf32, #tpu.memory_space<vmem>>) target(%dma_start3A_221 : memref<512x32xf32, #tpu.memory_space<hbm>>) target_semaphore(%arg20 : memref<!tpu.dma_semaphore, #tpu.memory_space<semaphore_mem>>)
    }
    %scan3A_27 = arith.constant 10 : i32
    %dma_wait3A = arith.constant 45 : i32
    %dma_wait3A_28 = arith.constant 0 : i32
    %dma_wait3A_29 = tpu.memref_slice %arg4[%mul3A_2, %dma_wait3A, %dma_wait3A_28] : memref<16384x50x32xf32, #tpu.memory_space<hbm>> -> memref<512x1x32xf32, #tpu.memory_space<hbm>>
    %dma_wait3A_30 = tpu.memref_squeeze %dma_wait3A_29 : memref<512x1x32xf32, #tpu.memory_space<hbm>> -> memref<512x32xf32, #tpu.memory_space<hbm>>
    %dma_wait3A_31 = arith.constant 0 : i32
    %dma_wait3A_32 = tpu.memref_slice %arg4[%mul3A_2, %dma_wait3A, %dma_wait3A_31] : memref<16384x50x32xf32, #tpu.memory_space<hbm>> -> memref<512x1x32xf32, #tpu.memory_space<hbm>>
    %dma_wait3A_33 = tpu.memref_squeeze %dma_wait3A_32 : memref<512x1x32xf32, #tpu.memory_space<hbm>> -> memref<512x32xf32, #tpu.memory_space<hbm>>
    tpu.wait_dma2 semaphore(%arg16 : memref<!tpu.dma_semaphore, #tpu.memory_space<semaphore_mem>>) src(%arg6 : memref<512x32xf32, #tpu.memory_space<vmem>>) dst(%dma_wait3A_33 : memref<512x32xf32, #tpu.memory_space<hbm>>)
    %dma_wait3A_34 = arith.constant 46 : i32
    %dma_wait3A_35 = arith.constant 0 : i32
    %dma_wait3A_36 = tpu.memref_slice %arg4[%mul3A_2, %dma_wait3A_34, %dma_wait3A_35] : memref<16384x50x32xf32, #tpu.memory_space<hbm>> -> memref<512x1x32xf32, #tpu.memory_space<hbm>>
    %dma_wait3A_37 = tpu.memref_squeeze %dma_wait3A_36 : memref<512x1x32xf32, #tpu.memory_space<hbm>> -> memref<512x32xf32, #tpu.memory_space<hbm>>
    %dma_wait3A_38 = arith.constant 0 : i32
    %dma_wait3A_39 = tpu.memref_slice %arg4[%mul3A_2, %dma_wait3A_34, %dma_wait3A_38] : memref<16384x50x32xf32, #tpu.memory_space<hbm>> -> memref<512x1x32xf32, #tpu.memory_space<hbm>>
    %dma_wait3A_40 = tpu.memref_squeeze %dma_wait3A_39 : memref<512x1x32xf32, #tpu.memory_space<hbm>> -> memref<512x32xf32, #tpu.memory_space<hbm>>
    tpu.wait_dma2 semaphore(%arg17 : memref<!tpu.dma_semaphore, #tpu.memory_space<semaphore_mem>>) src(%arg7 : memref<512x32xf32, #tpu.memory_space<vmem>>) dst(%dma_wait3A_40 : memref<512x32xf32, #tpu.memory_space<hbm>>)
    %dma_wait3A_41 = arith.constant 47 : i32
    %dma_wait3A_42 = arith.constant 0 : i32
    %dma_wait3A_43 = tpu.memref_slice %arg4[%mul3A_2, %dma_wait3A_41, %dma_wait3A_42] : memref<16384x50x32xf32, #tpu.memory_space<hbm>> -> memref<512x1x32xf32, #tpu.memory_space<hbm>>
    %dma_wait3A_44 = tpu.memref_squeeze %dma_wait3A_43 : memref<512x1x32xf32, #tpu.memory_space<hbm>> -> memref<512x32xf32, #tpu.memory_space<hbm>>
    %dma_wait3A_45 = arith.constant 0 : i32
    %dma_wait3A_46 = tpu.memref_slice %arg4[%mul3A_2, %dma_wait3A_41, %dma_wait3A_45] : memref<16384x50x32xf32, #tpu.memory_space<hbm>> -> memref<512x1x32xf32, #tpu.memory_space<hbm>>
    %dma_wait3A_47 = tpu.memref_squeeze %dma_wait3A_46 : memref<512x1x32xf32, #tpu.memory_space<hbm>> -> memref<512x32xf32, #tpu.memory_space<hbm>>
    tpu.wait_dma2 semaphore(%arg18 : memref<!tpu.dma_semaphore, #tpu.memory_space<semaphore_mem>>) src(%arg8 : memref<512x32xf32, #tpu.memory_space<vmem>>) dst(%dma_wait3A_47 : memref<512x32xf32, #tpu.memory_space<hbm>>)
    %dma_wait3A_48 = arith.constant 48 : i32
    %dma_wait3A_49 = arith.constant 0 : i32
    %dma_wait3A_50 = tpu.memref_slice %arg4[%mul3A_2, %dma_wait3A_48, %dma_wait3A_49] : memref<16384x50x32xf32, #tpu.memory_space<hbm>> -> memref<512x1x32xf32, #tpu.memory_space<hbm>>
    %dma_wait3A_51 = tpu.memref_squeeze %dma_wait3A_50 : memref<512x1x32xf32, #tpu.memory_space<hbm>> -> memref<512x32xf32, #tpu.memory_space<hbm>>
    %dma_wait3A_52 = arith.constant 0 : i32
    %dma_wait3A_53 = tpu.memref_slice %arg4[%mul3A_2, %dma_wait3A_48, %dma_wait3A_52] : memref<16384x50x32xf32, #tpu.memory_space<hbm>> -> memref<512x1x32xf32, #tpu.memory_space<hbm>>
    %dma_wait3A_54 = tpu.memref_squeeze %dma_wait3A_53 : memref<512x1x32xf32, #tpu.memory_space<hbm>> -> memref<512x32xf32, #tpu.memory_space<hbm>>
    tpu.wait_dma2 semaphore(%arg19 : memref<!tpu.dma_semaphore, #tpu.memory_space<semaphore_mem>>) src(%arg9 : memref<512x32xf32, #tpu.memory_space<vmem>>) dst(%dma_wait3A_54 : memref<512x32xf32, #tpu.memory_space<hbm>>)
    %dma_wait3A_55 = arith.constant 49 : i32
    %dma_wait3A_56 = arith.constant 0 : i32
    %dma_wait3A_57 = tpu.memref_slice %arg4[%mul3A_2, %dma_wait3A_55, %dma_wait3A_56] : memref<16384x50x32xf32, #tpu.memory_space<hbm>> -> memref<512x1x32xf32, #tpu.memory_space<hbm>>
    %dma_wait3A_58 = tpu.memref_squeeze %dma_wait3A_57 : memref<512x1x32xf32, #tpu.memory_space<hbm>> -> memref<512x32xf32, #tpu.memory_space<hbm>>
    %dma_wait3A_59 = arith.constant 0 : i32
    %dma_wait3A_60 = tpu.memref_slice %arg4[%mul3A_2, %dma_wait3A_55, %dma_wait3A_59] : memref<16384x50x32xf32, #tpu.memory_space<hbm>> -> memref<512x1x32xf32, #tpu.memory_space<hbm>>
    %dma_wait3A_61 = tpu.memref_squeeze %dma_wait3A_60 : memref<512x1x32xf32, #tpu.memory_space<hbm>> -> memref<512x32xf32, #tpu.memory_space<hbm>>
    tpu.wait_dma2 semaphore(%arg20 : memref<!tpu.dma_semaphore, #tpu.memory_space<semaphore_mem>>) src(%arg10 : memref<512x32xf32, #tpu.memory_space<vmem>>) dst(%dma_wait3A_61 : memref<512x32xf32, #tpu.memory_space<hbm>>)
    return
  }
}

</mosaic_0001>

<sc_bundles>
// kernel: kernel.3.cloned.1.call-start
scs
__scs_entry_jumppad:
0x0: {  	(pc) =	sbr.rel $0x88, $3  }
0x1: {  	(tag) =	ssettag $0x0;
	lr =	simm.s32 $0x1  }
0x2: {  	[smem:$0x3F9F] =	sst lr;
	_ =	strace $0xD0000000  }
0x3: {  	_ = 	snop  }
0x4: {  	_ = 	snop  }
0x5: {  	_ = 	snop  }
0x6: {  	_ = 	snop  }
0x7: {  	_ = 	snop  }
__scs_overlays_trampoline_lowered:
0x8: {  	[smem:$0x3FAE] =	sst s0  }
0x9: {  	[smem:$0x3FAF] =	sst s1  }
0xa: {  	[smem:$0x3FB0] =	sst s2  }
0xb: {  	[smem:$0x3FB1] =	sst s3  }
0xc: {  	[smem:$0x3FB2] =	sst s4  }
0xd: {  	[smem:$0x3FB3] =	sst s5  }
0xe: {  	[smem:$0x3FB4] =	sst s6  }
0xf: {  	[smem:$0x3FB5] =	sst s7  }
0x10: {  	[smem:$0x3FB6] =	sst s8  }
0x11: {  	[smem:$0x3FB7] =	sst s9;
	s0 =	simm.s32 @!p0 $0x0  }
0x12: {  	s1 =	sld [smem:$0x3F9D];
	s0 =	simm.s32 @p0 $0x1  }
0x13: {  	[smem:$0x3FB8] =	sst s0;
	s0 =	simm.s32 @!p1 $0x0  }
0x14: {  	s2 =	sld [smem:$0x3F9C];
	s0 =	simm.s32 @p1 $0x1  }
0x15: {  	[smem:$0x3FB9] =	sst s0;
	s0 =	simm.s32 @!p2 $0x0  }
0x16: {  	s3 =	sld [smem:$0x3FDB];
	s0 =	simm.s32 @p2 $0x1  }
0x17: {  	s4 =	simm.s32 $0x1BF5;
	[smem:$0x3FBB] =	sst s0  }
0x18: {  	s0 =	sld [smem:$0x3F9E];
	_ =	swait.ge [sflag:s4], $0x0  }
0x19: {  	s7 =	sld [smem:$0x3F9F]  }
0x1a: {  	s8 =	sadd.s32 $0xFFFFE003, lr  }
0x1b: {  	s9 =	sadd.s32 $0xFFFFFEF7, lr;
	s5 =	simm.s32 $0xFFFFFFFF;
	p2 =	slt.u32 s8, $0xFFFFF086  }
0x1c: {  	p1 =	slt.u32 s9, $0xF7A;
	s5 =	simm.s32 @!p2 $0x0  }
0x1d: {  	s5 =	simm.s32 @p1 $0x1;
	p0 =	seq.s32 s7, s2  }
0x1e: {  	s7 =	smul.u32 @!p0 $0xF7A, s2;
	p2 =	seq.s32 @!p0 s5, $0x0  }
0x1f: {  	s9 =	smul.u32 $0xF7A, s1;
	s8 =	simm.s32 @!p0 $0x1BF5;
	p2 =	por !p2, p0  }
0x20: {  	[sflag:s8] =	ssyncset.s32 @!p0 $0xFFFFF086;
	s6 =	sadd.s32 @!p0 s3, s7;
	s7 =	simm.s32 @!p0 $0x108  }
0x21: {  	s3 =	sadd.s32 s3, s9;
	s6 =	sadd.s32 @!p0 $0x88, s6;
	s7 =	simm.s32 @p2 $0x1082  }
0x22: {  	[simem:s7], [sflag:s8] =	dma.local @!p0 [hbm:s6], $0xF7A  }
0x23: {  	s9 =	sor.u32 $0xD0000000, s2;
	s6 =	simm.s32 $0x108;
	_ =	swait.ge @!p0 [sflag:s8], $0x0  }
0x24: {  	s3 =	sadd.s32 $0x88, s3;
	s6 =	simm.s32 @!p1 $0x1082;
	[sflag:s4] =	ssyncset.s32 $0xFFFFF086  }
0x25: {  	[simem:s6], [sflag:s4] =	dma.local [hbm:s3], $0xF7A  }
0x26: {  	[smem:$0x3F9F] =	sst s1;
	(tag) =	ssettag s2;
	_ =	strace s9  }
0x27: {  	s1 =	sld [smem:$0x3FAF]  }
0x28: {  	s2 =	sld [smem:$0x3FB0]  }
0x29: {  	s4 =	sld [smem:$0x3FB2]  }
0x2a: {  	p0 =	seq.s32 s5, $0x0;
	s5 =	sld [smem:$0x3FB3]  }
0x2b: {  	s6 =	sld [smem:$0x3FB4]  }
0x2c: {  	s7 =	sld [smem:$0x3FB5]  }
0x2d: {  	s3 =	simm.s32 $0x108;
	s8 =	sld [smem:$0x3FB6]  }
0x2e: {  	s3 =	simm.s32 @!p0 $0x1082;
	s9 =	sld [smem:$0x3FB7]  }
0x2f: {  	lr =	sadd.s32 s0, s3;
	s0 =	sld [smem:$0x3FAE]  }
0x30: {  	s3 =	sld [smem:$0x3FB1]  }
0x31: {  	[smem:$0x3FBA] =	sst s10  }
0x32: {  	s10 =	sld [smem:$0x3FB8];
	_ =	sdelay $0x3  }
0x33: {  	p0 =	seq.s32 s10, $0x1;
	s10 =	sld [smem:$0x3FBA];
	_ =	sdelay $0x3  }
0x34: {  	[smem:$0x3FBA] =	sst s10  }
0x35: {  	s10 =	sld [smem:$0x3FB9];
	_ =	sdelay $0x3  }
0x36: {  	p1 =	seq.s32 s10, $0x1;
	s10 =	sld [smem:$0x3FBA];
	_ =	sdelay $0x3  }
0x37: {  	[smem:$0x3FBA] =	sst s10  }
0x38: {  	s10 =	sld [smem:$0x3FBB]  }
0x39: {  	_ = 	snop;
	(pc) =	sbr.ind lr, $3  }
0x3a: {  	_ = 	snop  }
0x3b: {  	_ = 	snop  }
0x3c: {  	p2 =	seq.s32 s10, $0x1;
	s10 =	sld [smem:$0x3FBA]  }
0x3d: {  	_ =	shalt  }
0x3e: {  	_ =	shalt  }
0x3f: {  	_ =	shalt  }
0x40: {  	_ =	shalt  }
0x41: {  	_ =	shalt  }
0x42: {  	_ =	shalt  }
0x43: {  	_ =	shalt  }
0x44: {  	_ =	shalt  }
0x45: {  	_ =	shalt  }
0x46: {  	_ =	shalt  }
0x47: {  	_ =	shalt  }
0x48: {  	_ =	shalt  }
0x49: {  	_ =	shalt  }
0x4a: {  	_ =	shalt  }
0x4b: {  	_ =	shalt  }
0x4c: {  	_ =	shalt  }
0x4d: {  	_ =	shalt  }
0x4e: {  	_ =	shalt  }
0x4f: {  	_ =	shalt  }
0x50: {  	_ =	shalt  }
0x51: {  	_ =	shalt  }
0x52: {  	_ =	shalt  }
0x53: {  	_ =	shalt  }
0x54: {  	_ =	shalt  }
0x55: {  	_ =	shalt  }
0x56: {  	_ =	shalt  }
0x57: {  	_ =	shalt  }
0x58: {  	_ =	shalt  }
0x59: {  	_ =	shalt  }
0x5a: {  	_ =	shalt  }
0x5b: {  	_ =	shalt  }
0x5c: {  	_ =	shalt  }
0x5d: {  	_ =	shalt  }
0x5e: {  	_ =	shalt  }
0x5f: {  	_ =	shalt  }
0x60: {  	_ =	shalt  }
0x61: {  	_ =	shalt  }
0x62: {  	_ =	shalt  }
0x63: {  	_ =	shalt  }
0x64: {  	_ =	shalt  }
0x65: {  	_ =	shalt  }
0x66: {  	_ =	shalt  }
0x67: {  	_ =	shalt  }
0x68: {  	_ =	shalt  }
0x69: {  	_ =	shalt  }
0x6a: {  	_ =	shalt  }
0x6b: {  	_ =	shalt  }
0x6c: {  	_ =	shalt  }
0x6d: {  	_ =	shalt  }
0x6e: {  	_ =	shalt  }
0x6f: {  	_ =	shalt  }
0x70: {  	_ =	shalt  }
0x71: {  	_ =	shalt  }
0x72: {  	_ =	shalt  }
0x73: {  	_ =	shalt  }
0x74: {  	_ =	shalt  }
0x75: {  	_ =	shalt  }
0x76: {  	_ =	shalt  }
0x77: {  	_ =	shalt  }
0x78: {  	_ =	shalt  }
0x79: {  	_ =	shalt  }
0x7a: {  	_ =	shalt  }
0x7b: {  	_ =	shalt  }
0x7c: {  	_ =	shalt  }
0x7d: {  	_ =	shalt  }
0x7e: {  	_ =	shalt  }
0x7f: {  	_ =	shalt  }
0x80: {  	_ =	shalt  }
0x81: {  	_ =	shalt  }
0x82: {  	_ =	shalt  }
0x83: {  	_ =	shalt  }
0x84: {  	_ =	shalt  }
0x85: {  	_ =	shalt  }
0x86: {  	_ =	shalt  }
0x87: {  	_ =	shalt  }
.Lfunc_end0:
.L_simem_size_0:
called_computation.1_lowered:
.L_overlay_start_0:
0x88: {  	s2 =	sld [smem:$0x3FD9]  }
0x89: {  	s3 =	sld [smem:$0x3FFE];
	_ =	sdelay $0x1  }
0x8a: {  	s1 =	srdreg.scid  }
0x8b: {  	s0 =	sand.u32 $0x1, s1  }
0x8c: {  	s17 =	sshll.u32 s0, $0xA;
	s2 =	sadd.s32 s3, s2  }
0x8d: {  	s2 =	sadd.s32 s2, s17  }
0x8e: {  	[smem:$0x3FC6] =	sst s2  }
0x8f: {  	_ = 	snop  }
0x90: {  	s2 =	sld [smem:$0x3FD0];
	(tm) =	ssettm $0x1  }
0x91: {  	s18 =	sld [smem:$0x3FFB];
	_ =	sdelay $0x3  }
0x92: {  	_ =	strace s18  }
0x93: {  	s3 =	sld [smem:$0x3FFC];
	_ =	sdelay $0x3  }
0x94: {  	_ =	strace s3  }
0x95: {  	s3 =	sld [smem:$0x3FFD];
	_ =	sdelay $0x3  }
0x96: {  	_ =	strace s3  }
0x97: {  	_ =	strace $0x8FFFFFFF  }
0x98: {  	s19 =	sld [smem:$0x3FDB];
	_ =	sdelay $0x1  }
0x99: {  	s4 =	simm.s32 $_scs_section_size  }
0x9a: {  	s5 =	simm.s32 $_size__tile_overlayer_lowered;
	s6 =	simm.s32 $_tile_overlayer_lowered  }
0x9b: {  	s22 =	simm.s32 $0x1BFF;
	s21 =	sshll.u32 s6, $0x1;
	s3 =	sadd.s32 s4, s19  }
0x9c: {  	s7 =	simm.s32 $0x0;
	s20 =	sshll.u32 s5, $0x1;
	s5 =	sadd.s32 s21, s3  }
0x9d: {  	[timem:s7], [sflag:s22] =	dma.local [hbm:s5], s20  }
0x9e: {  	_ =	swait.ge [sflag:s22], s20  }
0x9f: {  	s4 =	ssub.s32 $0x0, s20;
	[sflag:s22] =	ssyncset.done $0x0  }
0xa0: {  	[sflag:s22] =	ssyncadd.s32 s4;
	_ =	sdelay $0x1  }
0xa1: {  	s23 =	simm.s32 $0x1B8B  }
0xa2: {  	_ =	swait.ge [sflag:s23], $0x1  }
0xa3: {  	[sflag:s23] =	ssyncset.done $0x0  }
0xa4: {  	s25 =	simm.s32 $0x1B8E;
	s24 =	sld [smem:$0x3FFE];
	[sflag:s23] =	ssyncadd.s32 $0xFFFFFFFF  }
0xa5: {  	s26 =	simm.s32 $execute0_lowered;
	[smem:$0x3FD2] =	sst s25  }
0xa6: {  	s5 =	sshll.u32 s26, $0x1;
	_ =	strace $0x80000046;
	[dreg:$0x1] =	wrdreg $0xFFFFFFFF  }
0xa7: {  	s28 =	simm.s32 $_size_execute0_lowered;
	s3 =	sadd.s32 s3, s5;
	[dreg:$0x0] =	wrdreg $0x0  }
0xa8: {  	s5 =	sshll.u32 s28, $0x1;
	[dreg:$0x2] =	wrdreg s3  }
0xa9: {  	[dreg:$0x3] =	wrdreg s5  }
0xaa: {  	[dreg:$0x4] =	wrdreg $0xC0  }
0xab: {  	_ =	task [dreg:s7], $0x5FFFF  }
0xac: {  	[dreg:$0x1] =	wrdreg $0xFFFFFFFF  }
0xad: {  	[dreg:$0x0] =	wrdreg $0x60  }
0xae: {  	[dreg:$0x2] =	wrdreg s24  }
0xaf: {  	[dreg:$0x3] =	wrdreg s2  }
0xb0: {  	[dreg:$0x4] =	wrdreg $0x9  }
0xb1: {  	_ =	task.clear_ibuf [dreg:s7], $0x5FFFF;
	_ =	strace $0x90000046  }
0xb2: {  	s29 =	simm.s32 $0x9;
	_ =	strace $0x80000048  }
0xb3: {  	_ =	swait.ge [sflag:s29], $0x1  }
0xb4: {  	[sflag:s29] =	ssyncadd.s32 $0xFFFFFFFF  }
0xb5: {  	_ =	strace $0x90000048  }
0xb6: {  	_ =	sfence  }
0xb7: {  	s30 =	sld [smem:$0x0];
	_ =	sdelay $0x2  }
0xb8: {  	s31 =	sshll.u32 s1, $0xD;
	s1 =	sshrl.u32 s1, $0x2  }
0xb9: {  	s3 =	sand.u32 $0x4000, s31;
	s1 =	sadd.s32 s1, s30  }
0xba: {  	s0 =	sor.u32 s3, s0;
	s1 =	sshll.u32 s1, $0x11  }
0xbb: {  	s0 =	sor.u32 s1, s0  }
0xbc: {  	s0 =	sadd.s32 $0x8F2B, s0  }
0xbd: {  	[sflag:s0] =	ssyncadd.remote.s32 $0x1  }
0xbe: {  	_ =	sfence.sel $0xFFFF  }
0xbf: {  	[dreg:$0x0] =	wrdreg $0xFFFFFFFF;
	(pc) =	sbr.abs _section_cstart, $3  }
0xc0: {  	[dreg:$0x1] =	wrdreg $0xFFFFFFFF  }
0xc1: {  	_ =	task.clear_ibuf [dreg:s7], $0x2FFFF;
	_ =	strace $0x9FFFFFFF  }
0xc2: {  	(tm) =	ssettm $0x7FFFFFFF  }
0xc3: {  	_ =	shalt  }
tec
execute0_lowered:
.L_overlay_start_1:
0x0: {  	(tag) =	ssettag $0x1  }
0x1: {  	s0 =	srdreg.scid;
	s1 =	rddreg [dreg:$0x0]  }
0x2: {  	s6 =	stileid.u32;
	s2 =	rddreg [dreg:$0x1];
	s5 =	simm.s32 $0x0  }
0x3: {  	s11 =	simm.s32 $0x200;
	s14 =	simm.s32 $0x6400;
	s15 =	simm.s32 $0xA400  }
0x4: {  	s18 =	simm.s32 $0x12400;
	s19 =	simm.s32 $0x1;
	s0 =	sand.u32 $0x1, s0  }
0x5: {  	s3 =	sshll.u32 s6, $0xA;
	[smem:$0x7FF] =	sst s5;
	s6 =	smul.u32 $0x190000, s6  }
0x6: {  	s4 =	sshll.u32 s0, $0x9;
	_ =	strace $0x80000047;
	s20 =	ssub.s32 $0x2, s0  }
0x7: {  	s0 =	smul.u32 $0xC8000, s0;
	s3 =	sor.u32 s4, s3;
	s7 =	sshrl.u32 s20, $0x1  }
0x8: {  	s4 =	smul.u32 $0x640, s3;
	s3 =	sshrl.u32 s3, $0x3;
	s21 =	ssub.s32 s20, s7  }
0x9: {  	s0 =	sadd.s32 s0, s6;
	s20 =	simm.s32 $0x20;
	s8 =	sadd.s32 s3, s1  }
0xa: {  	s3 =	sadd.s32 $0xF42E00, s1;
	s1 =	smax.u32 s21, $0x1;
	s24 =	sor.u32 $0x40, s0  }
0xb: {  	s25 =	sor.u32 $0x20, s0;
	s29 =	sor.u32 $0x80, s0;
	s30 =	sor.u32 $0x60, s0  }
0xc: {  	s0 =	sshrl.u32 s0, $0x3;
	s21 =	simm.s32 $0x640;
	s22 =	sadd.s32 $0xA00, s8  }
0xd: {  	s4 =	sshrl.u32 s4, $0x3;
	[dreg:$0x5] =	wrdreg s1;
	s28 =	sshrl.u32 s25, $0x3  }
0xe: {  	s0 =	sadd.s32 s0, s2;
	s25 =	simm.s32 $0x5;
	[dreg:$0x4] =	wrdreg s22  }
0xf: {  	s23 =	sadd.s32 s4, s2;
	s4 =	sshrl.u32 s24, $0x3;
	[dreg:$0x8] =	wrdreg s0  }
0x10: {  	s22 =	simm.s32 $0x16400;
	s24 =	simm.s32 $0x4;
	s1 =	sadd.s32 $0xBC, s23  }
0x11: {  	s26 =	sadd.s32 s4, s2;
	s4 =	sshrl.u32 s30, $0x3;
	[dreg:$0x3] =	wrdreg s1  }
0x12: {  	s23 =	simm.s32 $0x2;
	[dreg:$0x6] =	wrdreg s26;
	s1 =	sadd.s32 s28, s2  }
0x13: {  	s31 =	sadd.s32 s4, s2;
	[dreg:$0x7] =	wrdreg s1;
	s1 =	sshrl.u32 s29, $0x3  }
0x14: {  	[dreg:$0x9] =	wrdreg s31;
	s13 =	sadd.s32 s1, s2;
	s1 =	simm.s32 $0x0  }
.LBB2_1:
0x15: {  	s0 =	simm.s32 $0x0  }
0x16: {  	s2 =	rddreg [dreg:$0x4];
	s4 =	simm.s32 $0x4000;
	s26 =	simm.s32 $0xB  }
0x17: {  	[tilespmem:s0], [sflag:$0xB] =	stream.strided.gather [hbm4b:s2+s11], $0x6400, s4, s11, $0x38;
	[tilespmem:$0x1A400] =	vst v63  }
0x18: {  	_ =	swait.ge [sflag:s26], $0x6400  }
0x19: {  	[sflag:s26] =	ssyncset.done $0x0  }
0x1a: {  	[sflag:s26] =	ssyncadd.s32 $0xFFFF9C00  }
0x1b: {  	[tilespmem:s14], [sflag:$0x1] =	stream.indirect.gather [hbm4b:s3+s11], $0x20, s0, s11, $0xb8;
	[tilespmem:$0x1A400] =	vst v63  }
0x1c: {  	p0 =	por $0x1, $0x1  }
0x1d: {  	[tilespmem:s15], [sflag:$0x2] =	stream.indirect.gather [hbm4b:s3+s11], $0x20, s11, s11, $0xb8;
	[tilespmem:$0x1A400] =	vst v63  }
0x1e: {  	s28 =	simm.s32 $0x400;
	s29 =	simm.s32 $0xE400;
	s0 =	simm.s32 @!p0 $0x9  }
0x1f: {  	[tilespmem:s29], [sflag:$0x3] =	stream.indirect.gather [hbm4b:s3+s11], $0x20, s28, s11, $0xb8;
	[tilespmem:$0x1A400] =	vst v63  }
0x20: {  	_ =	swait.ge @!p0 [sflag:s0], $0x4000  }
0x21: {  	[sflag:s0] =	ssyncset.done @!p0 $0x0  }
0x22: {  	s30 =	simm.s32 $0x600;
	[sflag:s0] =	ssyncadd.s32 @!p0 $0xFFFFC000  }
0x23: {  	[tilespmem:s18], [sflag:$0x4] =	stream.indirect.gather [hbm4b:s3+s11], $0x20, s30, s11, $0xb8;
	[tilespmem:$0x1A400] =	vst v63  }
0x24: {  	_ =	swait.ge [sflag:s19], $0x4000  }
0x25: {  	[sflag:s19] =	ssyncset.done $0x0  }
0x26: {  	s0 =	simm.s32 @!p0 $0xA;
	s8 =	rddreg [dreg:$0x8];
	[sflag:s19] =	ssyncadd.s32 $0xFFFFC000  }
0x27: {  	[hbm4b:s8+s20] =	stream.strided.scatter [tilespmem:s14], [sflag:$0x6], $0x4000, s21, s20, $0x38;
	[tilespmem:$0x1A400] =	vst v63  }
0x28: {  	_ =	swait.ge @!p0 [sflag:s0], $0x4000  }
0x29: {  	[sflag:s0] =	ssyncset.done @!p0 $0x0  }
0x2a: {  	s31 =	simm.s32 $0x800;
	[sflag:s0] =	ssyncadd.s32 @!p0 $0xFFFFC000  }
0x2b: {  	[tilespmem:s22], [sflag:$0x5] =	stream.indirect.gather [hbm4b:s3+s11], $0x20, s31, s11, $0xb8;
	[tilespmem:$0x1A400] =	vst v63  }
0x2c: {  	_ =	swait.ge [sflag:s23], $0x4000  }
0x2d: {  	p0 =	por $0x0, $0x0;
	[sflag:s23] =	ssyncset.done $0x0  }
0x2e: {  	s0 =	simm.s32 @p0 $0x3;
	s7 =	rddreg [dreg:$0x7];
	[sflag:s23] =	ssyncadd.s32 $0xFFFFC000  }
0x2f: {  	[hbm4b:s7+s20] =	stream.strided.scatter [tilespmem:s15], [sflag:$0x7], $0x4000, s21, s20, $0x38;
	[tilespmem:$0x1A400] =	vst v63  }
0x30: {  	s4 =	simm.s32 @p0 $0xE400;
	_ =	swait.ge @p0 [sflag:s0], $0x4000  }
0x31: {  	s5 =	simm.s32 @p0 $0x640;
	s9 =	simm.s32 @!p0 $0x6;
	[sflag:s0] =	ssyncset.done @p0 $0x0  }
0x32: {  	s2 =	rddreg [dreg:$0x3];
	[sflag:s0] =	ssyncadd.s32 @p0 $0xFFFFC000;
	s0 =	simm.s32 @p0 $0x20  }
0x33: {  	[hbm4b:s2+s0] =	stream.strided.scatter @p0 [tilespmem:s4], [sflag:$0x8], $0x4000, s5, s0, $0x38;
	[tilespmem:$0x1A400] =	vst v63  }
0x34: {  	_ =	swait.ge @!p0 [sflag:s9], $0x4000  }
0x35: {  	s0 =	simm.s32 @!p0 $0xA00;
	s2 =	simm.s32 @!p0 $0x200;
	[sflag:s9] =	ssyncset.done @!p0 $0x0  }
0x36: {  	s4 =	simm.s32 @!p0 $0x6400;
	s5 =	simm.s32 @!p0 $0x3;
	[sflag:s9] =	ssyncadd.s32 @!p0 $0xFFFFC000  }
0x37: {  	[tilespmem:s4], [sflag:$0x1] =	stream.indirect.gather @!p0 [hbm4b:s3+s2], $0x20, s0, s2, $0xb8;
	[tilespmem:$0x1A400] =	vst v63  }
0x38: {  	s9 =	simm.s32 @!p0 $0x640;
	_ =	swait.ge @!p0 [sflag:s5], $0x4000  }
0x39: {  	s4 =	simm.s32 @!p0 $0xE400;
	s0 =	simm.s32 @!p0 $0x20;
	[sflag:s5] =	ssyncset.done @!p0 $0x0  }
0x3a: {  	s6 =	rddreg [dreg:$0x6];
	[sflag:s5] =	ssyncadd.s32 @!p0 $0xFFFFC000;
	s5 =	simm.s32 @!p0 $0x7  }
0x3b: {  	[hbm4b:s6+s0] =	stream.strided.scatter @!p0 [tilespmem:s4], [sflag:$0x8], $0x4000, s9, s0, $0x38;
	[tilespmem:$0x1A400] =	vst v63  }
0x3c: {  	_ =	swait.ge @!p0 [sflag:s5], $0x4000  }
0x3d: {  	[sflag:s5] =	ssyncset.done @!p0 $0x0  }
0x3e: {  	s0 =	simm.s32 @!p0 $0xC00;
	s9 =	simm.s32 @!p0 $0xA400;
	[sflag:s5] =	ssyncadd.s32 @!p0 $0xFFFFC000  }
0x3f: {  	[tilespmem:s9], [sflag:$0x2] =	stream.indirect.gather @!p0 [hbm4b:s3+s2], $0x20, s0, s2, $0xb8;
	[tilespmem:$0x1A400] =	vst v63  }
0x40: {  	_ =	swait.ge [sflag:s24], $0x4000  }
0x41: {  	[sflag:s24] =	ssyncset.done $0x0  }
0x42: {  	s9 =	simm.s32 @!p0 $0x8;
	s10 =	rddreg [dreg:$0x9];
	[sflag:s24] =	ssyncadd.s32 $0xFFFFC000  }
0x43: {  	[hbm4b:s10+s20] =	stream.strided.scatter [tilespmem:s18], [sflag:$0x9], $0x4000, s21, s20, $0x38;
	[tilespmem:$0x1A400] =	vst v63  }
0x44: {  	s17 =	simm.s32 $0x2800;
	_ =	swait.ge @!p0 [sflag:s9], $0x4000  }
0x45: {  	p1 =	por $0x0, $0x0;
	s12 =	simm.s32 @!p0 $0xE00;
	[sflag:s9] =	ssyncset.done @!p0 $0x0  }
0x46: {  	s16 =	sadd.s32 $0x14, s6;
	s5 =	simm.s32 $0x5000;
	[sflag:s9] =	ssyncadd.s32 @!p0 $0xFFFFC000  }
0x47: {  	[tilespmem:s4], [sflag:$0x3] =	stream.indirect.gather @!p0 [hbm4b:s3+s2], $0x20, s12, s2, $0xb8;
	[tilespmem:$0x1A400] =	vst v63  }
0x48: {  	s0 =	sadd.s32 $0x14, s13;
	s9 =	smov.u32 s13;
	s12 =	sadd.s32 $0x14, s10  }
0x49: {  	s2 =	sadd.s32 $0x14, s7;
	s4 =	sadd.s32 $0x14, s8;
	_ =	swait.ge [sflag:s25], $0x4000  }
.LBB2_2:
0x4a: {  	[sflag:s25] =	ssyncset.done $0x0  }
0x4b: {  	s26 =	simm.s32 @!p1 $0x9;
	[sflag:s25] =	ssyncadd.s32 $0xFFFFC000  }
0x4c: {  	[hbm4b:s9+s20] =	stream.strided.scatter [tilespmem:s22], [sflag:$0xA], $0x4000, s21, s20, $0x38;
	[tilespmem:$0x1A400] =	vst v63  }
0x4d: {  	_ =	swait.ge @!p1 [sflag:s26], $0x4000  }
0x4e: {  	s29 =	sshra.s32 s17, $0x2;
	[sflag:s26] =	ssyncset.done @!p1 $0x0  }
0x4f: {  	s30 =	sadd.s32 $0x600, s29;
	[sflag:s26] =	ssyncadd.s32 @!p1 $0xFFFFC000  }
0x50: {  	[tilespmem:s18], [sflag:$0x4] =	stream.indirect.gather [hbm4b:s3+s11], $0x20, s30, s11, $0xb8;
	[tilespmem:$0x1A400] =	vst v63  }
0x51: {  	_ =	swait.ge [sflag:s19], $0x4000  }
0x52: {  	[sflag:s19] =	ssyncset.done $0x0  }
0x53: {  	s26 =	simm.s32 @!p1 $0xA;
	[sflag:s19] =	ssyncadd.s32 $0xFFFFC000  }
0x54: {  	[hbm4b:s4+s20] =	stream.strided.scatter [tilespmem:s14], [sflag:$0x6], $0x4000, s21, s20, $0x38;
	[tilespmem:$0x1A400] =	vst v63  }
0x55: {  	_ =	swait.ge @!p1 [sflag:s26], $0x4000  }
0x56: {  	[sflag:s26] =	ssyncset.done @!p1 $0x0  }
0x57: {  	s29 =	sadd.s32 $0x800, s29;
	[sflag:s26] =	ssyncadd.s32 @!p1 $0xFFFFC000  }
0x58: {  	[tilespmem:s22], [sflag:$0x5] =	stream.indirect.gather [hbm4b:s3+s11], $0x20, s29, s11, $0xb8;
	[tilespmem:$0x1A400] =	vst v63  }
0x59: {  	_ =	swait.ge [sflag:s23], $0x4000  }
0x5a: {  	p1 =	seq.s32 s17, $0x16800;
	[sflag:s23] =	ssyncset.done $0x0  }
0x5b: {  	s26 =	simm.s32 @p1 $0x3;
	[sflag:s23] =	ssyncadd.s32 $0xFFFFC000  }
0x5c: {  	[hbm4b:s2+s20] =	stream.strided.scatter [tilespmem:s15], [sflag:$0x7], $0x4000, s21, s20, $0x38;
	[tilespmem:$0x1A400] =	vst v63  }
0x5d: {  	s17 =	sshra.s32 @!p1 s17, $0x2;
	s31 =	simm.s32 @p1 $0xE400;
	_ =	swait.ge @p1 [sflag:s26], $0x4000  }
0x5e: {  	s7 =	simm.s32 @p1 $0x640;
	s8 =	simm.s32 @!p1 $0x6;
	[sflag:s26] =	ssyncset.done @p1 $0x0  }
0x5f: {  	s6 =	rddreg [dreg:$0x3];
	[sflag:s26] =	ssyncadd.s32 @p1 $0xFFFFC000;
	s26 =	simm.s32 @p1 $0x20  }
0x60: {  	[hbm4b:s6+s26] =	stream.strided.scatter @p1 [tilespmem:s31], [sflag:$0x8], $0x4000, s7, s26, $0x38;
	[tilespmem:$0x1A400] =	vst v63  }
0x61: {  	s28 =	smov.u32 s5;
	s29 =	sadd.s32 @!p1 $0xA00, s17;
	_ =	swait.ge @!p1 [sflag:s8], $0x4000  }
0x62: {  	s30 =	sadd.s32 @!p1 $0xC00, s17;
	s6 =	simm.s32 @!p1 $0x200;
	[sflag:s8] =	ssyncset.done @!p1 $0x0  }
0x63: {  	s7 =	simm.s32 @!p1 $0x6400;
	[sflag:s8] =	ssyncadd.s32 @!p1 $0xFFFFC000;
	s8 =	simm.s32 @!p1 $0x3  }
0x64: {  	[tilespmem:s7], [sflag:$0x1] =	stream.indirect.gather @!p1 [hbm4b:s3+s6], $0x20, s29, s6, $0xb8;
	[tilespmem:$0x1A400] =	vst v63  }
0x65: {  	s10 =	sadd.s32 @!p1 $0xE00, s17;
	s17 =	smov.u32 s28;
	_ =	swait.ge @!p1 [sflag:s8], $0x4000  }
0x66: {  	s28 =	simm.s32 @!p1 $0x640;
	s26 =	simm.s32 @!p1 $0x20;
	[sflag:s8] =	ssyncset.done @!p1 $0x0  }
0x67: {  	s7 =	simm.s32 @!p1 $0xE400;
	[sflag:s8] =	ssyncadd.s32 @!p1 $0xFFFFC000;
	s8 =	simm.s32 @!p1 $0x7  }
0x68: {  	[hbm4b:s16+s26] =	stream.strided.scatter @!p1 [tilespmem:s7], [sflag:$0x8], $0x4000, s28, s26, $0x38;
	[tilespmem:$0x1A400] =	vst v63  }
0x69: {  	_ =	swait.ge @!p1 [sflag:s8], $0x4000  }
0x6a: {  	[sflag:s8] =	ssyncset.done @!p1 $0x0  }
0x6b: {  	s26 =	simm.s32 @!p1 $0xA400;
	[sflag:s8] =	ssyncadd.s32 @!p1 $0xFFFFC000  }
0x6c: {  	[tilespmem:s26], [sflag:$0x2] =	stream.indirect.gather @!p1 [hbm4b:s3+s6], $0x20, s30, s6, $0xb8;
	[tilespmem:$0x1A400] =	vst v63  }
0x6d: {  	_ =	swait.ge [sflag:s24], $0x4000  }
0x6e: {  	s5 =	sadd.s32 $0x2800, s5;
	[sflag:s24] =	ssyncset.done $0x0  }
0x6f: {  	p0 =	sne.s32 s5, $0x19000;
	s8 =	simm.s32 @!p1 $0x8;
	[sflag:s24] =	ssyncadd.s32 $0xFFFFC000  }
0x70: {  	[hbm4b:s12+s20] =	stream.strided.scatter [tilespmem:s18], [sflag:$0x9], $0x4000, s21, s20, $0x38;
	[tilespmem:$0x1A400] =	vst v63  }
.Ltmp0:
0x71: {  	s9 =	smov.u32 s0;
	_ =	swait.ge @!p1 [sflag:s8], $0x4000;
	(pc) =	sbr.rel @p0 .LBB2_2-.Ltmp0, $4  }
0x72: {  	s0 =	sadd.s32 $0x14, s0;
	s4 =	sadd.s32 $0x14, s4;
	[sflag:s8] =	ssyncset.done @!p1 $0x0  }
0x73: {  	s2 =	sadd.s32 $0x14, s2;
	s16 =	sadd.s32 $0x14, s16;
	[sflag:s8] =	ssyncadd.s32 @!p1 $0xFFFFC000  }
0x74: {  	[tilespmem:s7], [sflag:$0x3] =	stream.indirect.gather @!p1 [hbm4b:s3+s6], $0x20, s10, s6, $0xb8;
	[tilespmem:$0x1A400] =	vst v63  }
0x75: {  	s12 =	sadd.s32 $0x14, s12;
	p1 =	seq.s32 s17, $0x0;
	_ =	swait.ge [sflag:s25], $0x4000  }
0x76: {  	[sflag:s25] =	ssyncset.done $0x0  }
0x77: {  	s5 =	simm.s32 @!p1 $0x9;
	[sflag:s25] =	ssyncadd.s32 $0xFFFFC000  }
0x78: {  	[hbm4b:s9+s20] =	stream.strided.scatter [tilespmem:s22], [sflag:$0xA], $0x4000, s21, s20, $0x38;
	[tilespmem:$0x1A400] =	vst v63  }
0x79: {  	_ =	swait.ge @!p1 [sflag:s5], $0x4000  }
0x7a: {  	s6 =	sshra.s32 s17, $0x2;
	[sflag:s5] =	ssyncset.done @!p1 $0x0  }
0x7b: {  	s9 =	sadd.s32 $0x600, s6;
	[sflag:s5] =	ssyncadd.s32 @!p1 $0xFFFFC000  }
0x7c: {  	[tilespmem:s18], [sflag:$0x4] =	stream.indirect.gather [hbm4b:s3+s11], $0x20, s9, s11, $0xb8;
	[tilespmem:$0x1A400] =	vst v63  }
0x7d: {  	_ =	swait.ge [sflag:s19], $0x4000  }
0x7e: {  	[sflag:s19] =	ssyncset.done $0x0  }
0x7f: {  	s5 =	simm.s32 @!p1 $0xA;
	[sflag:s19] =	ssyncadd.s32 $0xFFFFC000  }
0x80: {  	[hbm4b:s4+s20] =	stream.strided.scatter [tilespmem:s14], [sflag:$0x6], $0x4000, s21, s20, $0x38;
	[tilespmem:$0x1A400] =	vst v63  }
0x81: {  	_ =	swait.ge @!p1 [sflag:s5], $0x4000  }
0x82: {  	[sflag:s5] =	ssyncset.done @!p1 $0x0  }
0x83: {  	s10 =	sadd.s32 $0x800, s6;
	[sflag:s5] =	ssyncadd.s32 @!p1 $0xFFFFC000  }
0x84: {  	[tilespmem:s22], [sflag:$0x5] =	stream.indirect.gather [hbm4b:s3+s11], $0x20, s10, s11, $0xb8;
	[tilespmem:$0x1A400] =	vst v63  }
0x85: {  	_ =	swait.ge [sflag:s23], $0x4000  }
0x86: {  	p0 =	seq.s32 s17, $0x16800;
	[sflag:s23] =	ssyncset.done $0x0  }
0x87: {  	s4 =	simm.s32 @p0 $0x3;
	[sflag:s23] =	ssyncadd.s32 $0xFFFFC000  }
0x88: {  	[hbm4b:s2+s20] =	stream.strided.scatter [tilespmem:s15], [sflag:$0x7], $0x4000, s21, s20, $0x38;
	[tilespmem:$0x1A400] =	vst v63  }
0x89: {  	_ =	swait.ge @p0 [sflag:s4], $0x4000  }
0x8a: {  	s6 =	simm.s32 @p0 $0x640;
	s5 =	simm.s32 @p0 $0xE400;
	[sflag:s4] =	ssyncset.done @p0 $0x0  }
0x8b: {  	s2 =	rddreg [dreg:$0x3];
	[sflag:s4] =	ssyncadd.s32 @p0 $0xFFFFC000;
	s4 =	simm.s32 @p0 $0x20  }
0x8c: {  	[hbm4b:s2+s4] =	stream.strided.scatter @p0 [tilespmem:s5], [sflag:$0x8], $0x4000, s6, s4, $0x38;
	[tilespmem:$0x1A400] =	vst v63  }
0x8d: {  	s2 =	simm.s32 @!p0 $0x6  }
0x8e: {  	s7 =	simm.s32 @!p0 $0x6400;
	_ =	swait.ge @!p0 [sflag:s2], $0x4000  }
0x8f: {  	s4 =	sshra.s32 @!p0 s17, $0x2;
	s6 =	simm.s32 @!p0 $0x200;
	[sflag:s2] =	ssyncset.done @!p0 $0x0  }
0x90: {  	s5 =	sadd.s32 @!p0 $0xA00, s4;
	[sflag:s2] =	ssyncadd.s32 @!p0 $0xFFFFC000;
	s2 =	simm.s32 @!p0 $0x3  }
0x91: {  	[tilespmem:s7], [sflag:$0x1] =	stream.indirect.gather @!p0 [hbm4b:s3+s6], $0x20, s5, s6, $0xb8;
	[tilespmem:$0x1A400] =	vst v63  }
0x92: {  	_ =	swait.ge @!p0 [sflag:s2], $0x4000  }
0x93: {  	s5 =	simm.s32 @!p0 $0xE400;
	[sflag:s2] =	ssyncset.done @!p0 $0x0  }
0x94: {  	s7 =	simm.s32 @!p0 $0x20;
	[sflag:s2] =	ssyncadd.s32 @!p0 $0xFFFFC000;
	s2 =	simm.s32 @!p0 $0x640  }
0x95: {  	[hbm4b:s16+s7] =	stream.strided.scatter @!p0 [tilespmem:s5], [sflag:$0x8], $0x4000, s2, s7, $0x38;
	[tilespmem:$0x1A400] =	vst v63  }
0x96: {  	s2 =	simm.s32 @!p0 $0x7  }
0x97: {  	_ =	swait.ge @!p0 [sflag:s2], $0x4000  }
0x98: {  	[sflag:s2] =	ssyncset.done @!p0 $0x0  }
0x99: {  	s7 =	sadd.s32 @!p0 $0xC00, s4;
	[sflag:s2] =	ssyncadd.s32 @!p0 $0xFFFFC000;
	s2 =	simm.s32 @!p0 $0xA400  }
0x9a: {  	[tilespmem:s2], [sflag:$0x2] =	stream.indirect.gather @!p0 [hbm4b:s3+s6], $0x20, s7, s6, $0xb8;
	[tilespmem:$0x1A400] =	vst v63  }
0x9b: {  	_ =	swait.ge [sflag:s24], $0x4000  }
0x9c: {  	[sflag:s24] =	ssyncset.done $0x0  }
0x9d: {  	s2 =	simm.s32 @!p0 $0x8;
	[sflag:s24] =	ssyncadd.s32 $0xFFFFC000  }
0x9e: {  	[hbm4b:s12+s20] =	stream.strided.scatter [tilespmem:s18], [sflag:$0x9], $0x4000, s21, s20, $0x38;
	[tilespmem:$0x1A400] =	vst v63  }
0x9f: {  	_ =	swait.ge @!p0 [sflag:s2], $0x4000  }
0xa0: {  	[sflag:s2] =	ssyncset.done @!p0 $0x0  }
0xa1: {  	[sflag:s2] =	ssyncadd.s32 @!p0 $0xFFFFC000;
	s2 =	sadd.s32 @!p0 $0xE00, s4  }
0xa2: {  	[tilespmem:s5], [sflag:$0x3] =	stream.indirect.gather @!p0 [hbm4b:s3+s6], $0x20, s2, s6, $0xb8;
	[tilespmem:$0x1A400] =	vst v63  }
0xa3: {  	_ =	swait.ge [sflag:s25], $0x4000  }
0xa4: {  	[sflag:s25] =	ssyncset.done $0x0  }
0xa5: {  	s17 =	simm.s32 $0x6;
	[sflag:s25] =	ssyncadd.s32 $0xFFFFC000  }
0xa6: {  	[hbm4b:s0+s20] =	stream.strided.scatter [tilespmem:s22], [sflag:$0xA], $0x4000, s21, s20, $0x38;
	[tilespmem:$0x1A400] =	vst v63  }
0xa7: {  	_ =	swait.ge [sflag:s17], $0x4000  }
0xa8: {  	[sflag:s17] =	ssyncset.done $0x0  }
0xa9: {  	s26 =	simm.s32 $0x7;
	[sflag:s17] =	ssyncadd.s32 $0xFFFFC000  }
0xaa: {  	_ =	swait.ge [sflag:s26], $0x4000  }
0xab: {  	[sflag:s26] =	ssyncset.done $0x0  }
0xac: {  	s28 =	simm.s32 $0x8;
	[sflag:s26] =	ssyncadd.s32 $0xFFFFC000  }
0xad: {  	_ =	swait.ge [sflag:s28], $0x4000  }
0xae: {  	[sflag:s28] =	ssyncset.done $0x0  }
0xaf: {  	s29 =	simm.s32 $0x9;
	[sflag:s28] =	ssyncadd.s32 $0xFFFFC000  }
0xb0: {  	_ =	swait.ge [sflag:s29], $0x4000  }
0xb1: {  	[sflag:s29] =	ssyncset.done $0x0  }
0xb2: {  	s30 =	simm.s32 $0xA;
	[sflag:s29] =	ssyncadd.s32 $0xFFFFC000  }
0xb3: {  	_ =	swait.ge [sflag:s30], $0x4000  }
0xb4: {  	s1 =	sadd.s32 $0x1, s1;
	s31 =	rddreg [dreg:$0x5]  }
0xb5: {  	p0 =	sne.s32 s1, s31  }
.Ltmp1:
0xb6: {  	_ = 	snop;
	(pc) =	sbr.rel @p0 .LBB2_1-.Ltmp1, $3  }
0xb7: {  	_ =	sdelay $0x1  }
0xb8: {  	[sflag:s30] =	ssyncset.done $0x0  }
0xb9: {  	[sflag:s30] =	ssyncadd.s32 $0xFFFFC000  }
0xba: {  	_ =	sfence.sel $0x180000  }
0xbb: {  	[bflag:$0x0] =	sbarrier.arrive $0xFFFF  }
0xbc: {  	_ =	strace $0x90000047  }
0xbd: {  	s0 =	stileid.u32;
	[bflag:$0x2] =	sbarrier.arrive $0xFFFF  }
0xbe: {  	p0 =	sne.s32 s0, $0x0;
	s0 =	rddreg [dreg:$0x2]  }
0xbf: {  	s0 =	sadd.s32 @!p0 $0x100000, s0  }
0xc0: {  	[sflag:s0] =	ssyncadd.tile.s32 @!p0 $0x1;
	_ =	shalt  }
.Lfunc_end2:
_tile_overlayer_lowered:
.L_overlay_start_2:
0xc1: {  	(tag) =	ssettag $0x2  }
0xc2: {  	s0 =	rddreg [dreg:$0x0];
	s2 =	stileid.u32  }
0xc3: {  	s1 =	rddreg [dreg:$0x1];
	p0 =	sne.s32 s2, $0x0  }
0xc4: {  	s3 =	rddreg [dreg:$0x2];
	[bflag:$0x3] =	sbarrier.arrive $0xFFFF;
	s2 =	simm.s32 @!p0 $0x1C0B  }
0xc5: {  	[timem:s3], [sflag:s2] =	dma.local @!p0 [hbm:s0], s1  }
0xc6: {  	s0 =	simm.s32 @!p0 $0xB  }
0xc7: {  	_ =	swait.ge @!p0 [sflag:s0], s1  }
0xc8: {  	s1 =	ssub.s32 @!p0 $0x0, s1;
	[sflag:s0] =	ssyncset.done @!p0 $0x0  }
0xc9: {  	[sflag:s0] =	ssyncadd.s32 @!p0 s1  }
0xca: {  	[bflag:$0x3] =	sbarrier.arrive $0xFFFF  }
0xcb: {  	_ =	shalt  }

// kernel: sparse-core-data-format-call.cloned.1.call-start
scs
called_computation_lowered:
.L_overlay_start_0:
0x0: {  	s2 =	sld [smem:$0x3FD9]  }
0x1: {  	s3 =	sld [smem:$0x3FFE];
	_ =	sdelay $0x1  }
0x2: {  	s1 =	srdreg.scid  }
0x3: {  	s0 =	sand.u32 $0x1, s1  }
0x4: {  	s18 =	sshll.u32 s0, $0xA;
	s2 =	sadd.s32 s3, s2  }
0x5: {  	s2 =	sadd.s32 s2, s18  }
0x6: {  	[smem:$0x3FC6] =	sst s2  }
0x7: {  	_ = 	snop  }
0x8: {  	s2 =	sld [smem:$0x3FD0];
	(tm) =	ssettm $0x1  }
0x9: {  	s19 =	sld [smem:$0x3FFB];
	_ =	sdelay $0x3  }
0xa: {  	_ =	strace s19  }
0xb: {  	s3 =	sld [smem:$0x3FFC];
	_ =	sdelay $0x3  }
0xc: {  	_ =	strace s3  }
0xd: {  	s3 =	sld [smem:$0x3FFD];
	_ =	sdelay $0x3  }
0xe: {  	_ =	strace s3  }
0xf: {  	_ =	strace $0x8FFFFFFF  }
0x10: {  	s20 =	sld [smem:$0x3FDB];
	_ =	sdelay $0x1  }
0x11: {  	s4 =	simm.s32 $_scs_section_size  }
0x12: {  	s5 =	simm.s32 $_size__tile_overlayer_lowered;
	s6 =	simm.s32 $_tile_overlayer_lowered  }
0x13: {  	s23 =	simm.s32 $0x1BFF;
	s22 =	sshll.u32 s6, $0x1;
	s3 =	sadd.s32 s4, s20  }
0x14: {  	s7 =	simm.s32 $0x0;
	s21 =	sshll.u32 s5, $0x1;
	s5 =	sadd.s32 s22, s3  }
0x15: {  	[timem:s7], [sflag:s23] =	dma.local [hbm:s5], s21  }
0x16: {  	_ =	swait.ge [sflag:s23], s21  }
0x17: {  	s4 =	ssub.s32 $0x0, s21;
	[sflag:s23] =	ssyncset.done $0x0  }
0x18: {  	[sflag:s23] =	ssyncadd.s32 s4;
	_ =	sdelay $0x1  }
0x19: {  	s24 =	simm.s32 $0x1B8B  }
0x1a: {  	_ =	swait.ge [sflag:s24], $0x1  }
0x1b: {  	[sflag:s24] =	ssyncset.done $0x0  }
0x1c: {  	s26 =	simm.s32 $0x1B8E;
	s25 =	sld [smem:$0x3FFE];
	[sflag:s24] =	ssyncadd.s32 $0xFFFFFFFF  }
0x1d: {  	s27 =	simm.s32 $execute0_lowered;
	[smem:$0x3FD2] =	sst s26  }
0x1e: {  	s5 =	sshll.u32 s27, $0x1;
	_ =	strace $0x80000049;
	[dreg:$0x1] =	wrdreg $0xFFFFFFFF  }
0x1f: {  	s28 =	simm.s32 $_size_execute0_lowered;
	s3 =	sadd.s32 s3, s5;
	[dreg:$0x0] =	wrdreg $0x0  }
0x20: {  	s5 =	sshll.u32 s28, $0x1;
	[dreg:$0x2] =	wrdreg s3  }
0x21: {  	[dreg:$0x3] =	wrdreg s5  }
0x22: {  	[dreg:$0x4] =	wrdreg $0xC0  }
0x23: {  	_ =	task [dreg:s7], $0x5FFFF  }
0x24: {  	[dreg:$0x1] =	wrdreg $0xFFFFFFFF  }
0x25: {  	[dreg:$0x0] =	wrdreg $0x60  }
0x26: {  	[dreg:$0x2] =	wrdreg s25  }
0x27: {  	[dreg:$0x3] =	wrdreg s2  }
0x28: {  	[dreg:$0x4] =	wrdreg $0x9  }
0x29: {  	_ =	task.clear_ibuf [dreg:s7], $0x5FFFF;
	_ =	strace $0x90000049  }
0x2a: {  	s29 =	simm.s32 $0x9;
	_ =	strace $0x8000004B  }
0x2b: {  	_ =	swait.ge [sflag:s29], $0x1  }
0x2c: {  	[sflag:s29] =	ssyncadd.s32 $0xFFFFFFFF  }
0x2d: {  	_ =	strace $0x9000004B  }
0x2e: {  	_ =	sfence  }
0x2f: {  	s30 =	sld [smem:$0x0];
	_ =	sdelay $0x2  }
0x30: {  	s31 =	sshll.u32 s1, $0xD;
	s1 =	sshrl.u32 s1, $0x2  }
0x31: {  	s3 =	sand.u32 $0x4000, s31;
	s1 =	sadd.s32 s1, s30  }
0x32: {  	s0 =	sor.u32 s3, s0;
	s1 =	sshll.u32 s1, $0x11  }
0x33: {  	s0 =	sor.u32 s1, s0  }
0x34: {  	s0 =	sadd.s32 $0x8F2B, s0  }
0x35: {  	[sflag:s0] =	ssyncadd.remote.s32 $0x1  }
0x36: {  	_ =	sfence.sel $0xFFFF  }
0x37: {  	[dreg:$0x0] =	wrdreg $0xFFFFFFFF;
	(pc) =	sbr.abs _section_cstart, $3  }
0x38: {  	[dreg:$0x1] =	wrdreg $0xFFFFFFFF  }
0x39: {  	_ =	task.clear_ibuf [dreg:s7], $0x2FFFF;
	_ =	strace $0x9FFFFFFF  }
0x3a: {  	(tm) =	ssettm $0x7FFFFFFF  }
0x3b: {  	_ =	shalt  }
tec
execute0_lowered:
.L_overlay_start_1:
0x0: {  	(tag) =	ssettag $0x1  }
0x1: {  	s0 =	srdreg.scid  }
0x2: {  	s1 =	sshll.u32 s0, $0x4  }
0x3: {  	s0 =	stileid.u32;
	s1 =	sand.u32 $0x10, s1  }
0x4: {  	s1 =	sor.u32 s0, s1  }
0x5: {  	s6 =	rddreg [dreg:$0x0];
	s4 =	simm.s32 $0x1;
	s2 =	sshll.u32 s1, $0x7  }
0x6: {  	s7 =	simm.s32 $0x2;
	s12 =	simm.s32 $0x0;
	s1 =	ssub.s32 $0x4000, s2  }
0x7: {  	s8 =	simm.s32 $0x20000;
	s13 =	simm.s32 $0x0;
	s3 =	sand.u32 $0xF80, s1  }
0x8: {  	s9 =	simm.s32 $0x0;
	s5 =	sshrl.u32 s1, $0xC;
	p0 =	sne.s32 s3, $0x0  }
.Ltmp0:
0x9: {  	s1 =	rddreg [dreg:$0x2];
	s4 =	simm.s32 @!p0 $0x0;
	(pc) =	sbr.rel .LBB1_1-.Ltmp0, $4  }
0xa: {  	s11 =	simm.s32 $0x0;
	s3 =	rddreg [dreg:$0x1];
	s5 =	sadd.s32 s4, s5  }
0xb: {  	_ =	strace $0x8000004A;
	s4 =	simm.s32 $0x1;
	s5 =	smul.u32 $0x32, s5  }
0xc: {  	s6 =	sadd.s32 $0xA00, s6;
	s10 =	smov.u32 s2;
	[sflag:s4] =	ssyncpa.u1 $0x0  }
0xd: {  	p0 =	por $0x0, $0x0;
	[sflag:s7] =	ssyncpa.u1 $0x0;
	s7 =	sor.u32 $0x1, s5  }
.LBB1_4:
0xe: {  	s16 =	sshll.u32 s13, $0x3;
	s17 =	sand.u32 $0x78, s13  }
0xf: {  	s30 =	sand.u32 $0xF800, s13;
	s12 =	sshll.u32 s12, $0x10;
	s16 =	sand.u32 $0x3C00, s16  }
0x10: {  	s31 =	sand.u32 $0x7, s13;
	s16 =	sor.u32 s17, s16;
	s17 =	sadd.s32 s3, s30  }
0x11: {  	s13 =	sshll.u32 s31, $0x12;
	s16 =	sshrl.u32 s16, $0x3;
	s12 =	sadd.s32 s12, s17  }
0x12: {  	[tilespmem:s15+$0x0 ss:$0x81] =	vst.msk $0xffff, v0;
	s13 =	sor.u32 $0x400, s13;
	s12 =	sadd.s32 s16, s12  }
0x13: {  	[hbm4b:s12+s13] =	stream.strided.scatter [tilespmem:s14], [sflag:$0x2], $0x1000, s8, s13, $0x20;
	[tilespmem:$0x4040] =	vst v63  }
.LBB1_5:
0x14: {  	s14 =	sadd.s32 $0x1, s9  }
0x15: {  	s12 =	sadd.s32 $0x1000, s10;
	s16 =	smov.u32 s10;
	p2 =	sgt.s32 s14, $0x31  }
0x16: {  	s16 =	smov.u32 @p2 s12  }
0x17: {  	s14 =	simm.s32 @p2 $0x0;
	p2 =	sgt.s32 s16, $0x3FFF  }
0x18: {  	s16 =	smov.u32 @p2 s2;
	p2 =	sne.s32 s11, s7  }
.Ltmp1:
0x19: {  	p1 =	slt.u32 s11, $0x2;
	(pc) =	sbr.rel @!p2 .LBB1_6-.Ltmp1, $4  }
0x1a: {  	s15 =	simm.s32 @!p1 $0x2  }
0x1b: {  	s13 =	smov.u32 s10;
	p0 =	por !p0, !p0;
	_ =	swait.ge @!p1 [sflag:s15], $0x1000  }
0x1c: {  	s12 =	smov.u32 s9;
	[sflag:s15] =	ssyncset.done @!p1 $0x0;
	s9 =	smov.u32 s14  }
0x1d: {  	s11 =	sadd.s32 $0x1, s11;
	[sflag:s15] =	ssyncadd.s32 @!p1 $0xFFFFF000;
	s10 =	smov.u32 s16  }
.LBB1_1:
0x1e: {  	p1 =	sge.u32 s11, s5  }
0x1f: {  	s14 =	sand.u32 @!p1 $0x1FFFFFF, s9  }
0x20: {  	s15 =	smulhi.u32 @!p1 $0x4924925, s14;
	_ =	sdelay $0x1  }
0x21: {  	s15 =	smul.u32 @!p1 $0x38, s15  }
0x22: {  	s16 =	sxor.u32 @!p1 $0xFFFFFFFF, s11;
	s17 =	smul.u32 @!p1 $0x380, s10  }
0x23: {  	s31 =	sadd.s32 $0xFFFFFFFF, s11;
	s16 =	sshll.u32 @!p1 s16, $0xC;
	s14 =	ssub.s32 @!p1 s14, s15  }
0x24: {  	s15 =	sand.u32 @!p1 $0x1000, s16;
	s16 =	sadd.s32 @!p1 s6, s17;
	s14 =	sshll.u32 @!p1 s14, $0x4  }
0x25: {  	s17 =	simm.s32 @!p1 $0x1C00;
	s14 =	sadd.s32 @!p1 s14, s16;
	s16 =	simm.s32 @!p1 $0x20  }
0x26: {  	[tilespmem:s15], [sflag:$0x1] =	stream.strided.gather @!p1 [hbm4b:s14+s16], $0x1000, s17, s16, $0x38;
	[tilespmem:$0x4040] =	vst v63  }
0x27: {  	p1 =	sge.u32 s31, s5  }
.Ltmp2:
0x28: {  	_ = 	snop;
	(pc) =	sbr.rel @p1 .LBB1_5-.Ltmp2, $1  }
0x29: {  	_ =	sdelay $0x3  }
0x2a: {  	s14 =	simm.s32 $0x1  }
0x2b: {  	_ =	swait.ge [sflag:s4], $0x1000;
	s14 =	simm.s32 @!p0 $0x0  }
0x2c: {  	[sflag:s4] =	ssyncset.done $0x0;
	s15 =	sshll.u32 s14, $0xC  }
0x2d: {  	[sflag:s4] =	ssyncadd.s32 $0xFFFFF000;
	s18 =	sor.u32 $0x10, s15  }
0x2e: {  	s14 =	smul.u32 $0x4080, s14;
	v1 =	vld [tilespmem:s18+$0x0]  }
0x2f: {  	s30 =	sand.u32 $0x1, s11;
	v0 =	vld [tilespmem:s18+$0xFFFFFFF0]  }
0x30: {  	s15 =	smul.u32 $0x4080, s30;
	s14 =	sshrl.u32 s14, $0x2  }
0x31: {  	s16 =	sor.u32 $0x2000, s14  }
0x32: {  	s31 =	sshrl.u32 s15, $0x2;
	s15 =	sadd.s32 $0x0, s16  }
0x33: {  	s17 =	simm.s32 $0x4;
	s18 =	sadd.s32 $0x20, s18;
	s14 =	sor.u32 $0x2000, s31;
	[tilespmem:s15+$0x810 ss:$0x81] =	vst.msk $0xffff, v1  }
.LBB1_3:
0x34: {  	v1 =	vld [tilespmem:s18+$0x0];
	p1 =	sne.s32 s17, $0x1FC;
	[tilespmem:s15+$0x0 ss:$0x81] =	vst.msk $0xffff, v0;
	s15 =	smov.u32 s17;
	s17 =	sadd.s32 $0x4, s17  }
.Ltmp3:
0x35: {  	v0 =	vld [tilespmem:s18+$0xFFFFFFF0];
	(pc) =	sbr.rel @p1 .LBB1_3-.Ltmp3, $4  }
0x36: {  	_ = 	snop  }
0x37: {  	s15 =	sshra.s32 s15, $0x2  }
0x38: {  	s15 =	sadd.s32 s15, s16  }
0x39: {  	s18 =	sadd.s32 $0x20, s18;
	[tilespmem:s15+$0x810 ss:$0x81] =	vst.msk $0xffff, v1  }
.Ltmp4:
0x3a: {  	_ = 	snop;
	(pc) =	sbr.rel .LBB1_4-.Ltmp4, $1  }
0x3b: {  	_ =	sdelay $0x3  }
.LBB1_6:
0x3c: {  	_ =	sfence.sel $0x180000  }
0x3d: {  	s2 =	simm.s32 $0x1;
	[bflag:$0x0] =	sbarrier.arrive $0xFFFF  }
0x3e: {  	s31 =	simm.s32 $0x2;
	[sflag:s2] =	ssyncpa.u1 $0x1  }
0x3f: {  	[sflag:s31] =	ssyncpa.u1 $0x1  }
0x40: {  	p0 =	sne.s32 s0, $0x0;
	_ =	strace $0x9000004A  }
0x41: {  	s0 =	sadd.s32 @!p0 $0x100000, s1;
	[bflag:$0x2] =	sbarrier.arrive $0xFFFF  }
0x42: {  	[sflag:s0] =	ssyncadd.tile.s32 @!p0 $0x1;
	_ =	shalt  }
.Lfunc_end1:
_tile_overlayer_lowered:
.L_overlay_start_2:
0x43: {  	(tag) =	ssettag $0x2  }
0x44: {  	s0 =	rddreg [dreg:$0x0];
	s2 =	stileid.u32  }
0x45: {  	s1 =	rddreg [dreg:$0x1];
	p0 =	sne.s32 s2, $0x0  }
0x46: {  	s3 =	rddreg [dreg:$0x2];
	[bflag:$0x3] =	sbarrier.arrive $0xFFFF;
	s2 =	simm.s32 @!p0 $0x1C01  }
0x47: {  	[timem:s3], [sflag:s2] =	dma.local @!p0 [hbm:s0], s1  }
0x48: {  	s0 =	simm.s32 @!p0 $0x1  }
0x49: {  	_ =	swait.ge @!p0 [sflag:s0], s1  }
0x4a: {  	s1 =	ssub.s32 @!p0 $0x0, s1;
	[sflag:s0] =	ssyncset.done @!p0 $0x0  }
0x4b: {  	[sflag:s0] =	ssyncadd.s32 @!p0 s1  }
0x4c: {  	[bflag:$0x3] =	sbarrier.arrive $0xFFFF  }
0x4d: {  	_ =	shalt  }

</sc_bundles>
